<compile_context>
chip_gen: v7x
topology: tpu7x:2x2x1
jax: 0.10.2.dev20260603
libtpu: 0.0.44.dev20260713+nightly
codegen_flags: <defaults>
</compile_context>

<pallas_src>
import functools

import jax
import jax.numpy as jnp
from jax import lax
from jax.experimental import pallas as pl
from jax.experimental.pallas import tpu as pltpu
from jax.experimental.pallas import tpu_sc as plsc

_NBUF = 4


def _scan_body(K, BK, steps, az_ref, zf_ref, minv_ref, rowi_ref, buf, sem):
    i = pl.program_id(0)

    def start(blk, slot):
        pltpu.make_async_copy(az_ref.at[pl.ds(blk * BK, BK), :],
                              buf.at[slot], sem.at[slot]).start()

    @pl.when(i == 0)
    def _():
        for s in range(_NBUF):
            start(s, s)

    slot = i % _NBUF
    pltpu.make_async_copy(az_ref.at[pl.ds(i * BK, BK), :],
                          buf.at[slot], sem.at[slot]).wait()
    ap = buf[slot]
    zf = zf_ref[...]
    dn = (((1,), (1,)), ((), ()))
    s = lax.dot_general(zf, ap, dn,
                        preferred_element_type=jnp.float32)
    ksq = lax.dot_general(jnp.ones((1, 16), jnp.float32), ap * ap, dn,
                          preferred_element_type=jnp.float32)
    d2 = ksq - 2.0 * s
    loc_min = jnp.min(d2, axis=1, keepdims=True)
    cols = lax.broadcasted_iota(jnp.int32, d2.shape, 1)
    loc_row = jnp.min(jnp.where(d2 == loc_min, cols, K), axis=1,
                      keepdims=True) + i * BK
    prev_v = jnp.where(i == 0, jnp.inf, minv_ref[...])
    prev_r = jnp.where(i == 0, 0, rowi_ref[...])
    better = loc_min < prev_v
    minv_ref[...] = jnp.where(better, loc_min, prev_v)
    rowi_ref[...] = jnp.where(better, loc_row, prev_r)

    @pl.when(i + _NBUF < steps)
    def _():
        start(i + _NBUF, slot)


def _make_gather(Q, d):
    mesh = plsc.VectorSubcoreMesh(core_axis_name="c", subcore_axis_name="s")

    @functools.partial(
        pl.kernel, mesh=mesh,
        out_type=jax.ShapeDtypeStruct((Q, d), jnp.float32),
        scratch_types=[
            pltpu.VMEM((Q,), jnp.int32),
            pltpu.VMEM((Q, d), jnp.float32),
            pltpu.SemaphoreType.DMA,
        ],
    )
    def gather(idx_hbm, table_hbm, out_hbm, idx_v, out_v, sem):
        wid = lax.axis_index("s") * 2 + lax.axis_index("c")

        @pl.when(wid == 0)
        def _():
            pltpu.sync_copy(idx_hbm, idx_v)
            copies = []
            for qc in range(Q // 16):
                bgv = idx_v[pl.ds(qc * 16, 16)]
                for m in range(16):
                    copies.append(pltpu.async_copy(
                        table_hbm.at[pl.ds(bgv[m], 1)],
                        out_v.at[pl.ds(qc * 16 + m, 1)], sem))
            for c in copies:
                c.wait()
            pltpu.sync_copy(out_v, out_hbm)

    return gather


def kernel(z, all_z):
    b, l, d = z.shape
    Q = b * l
    K = all_z.shape[0]
    BK = 12500
    steps = K // BK

    zf = jnp.reshape(z, (Q, d))

    minv, rowi = pl.pallas_call(
        functools.partial(_scan_body, K, BK, steps),
        grid=(steps,),
        in_specs=[
            pl.BlockSpec(memory_space=pl.ANY),
            pl.BlockSpec((Q, d), lambda i: (0, 0)),
        ],
        out_specs=[
            pl.BlockSpec((Q, 1), lambda i: (0, 0)),
            pl.BlockSpec((Q, 1), lambda i: (0, 0)),
        ],
        out_shape=[
            jax.ShapeDtypeStruct((Q, 1), jnp.float32),
            jax.ShapeDtypeStruct((Q, 1), jnp.int32),
        ],
        scratch_shapes=[
            pltpu.VMEM((_NBUF, BK, d), jnp.float32),
            pltpu.SemaphoreType.DMA((_NBUF,)),
        ],
    )(all_z, zf)

    gather = _make_gather(Q, d)
    nearest = gather(rowi.reshape(Q), all_z)
    return jnp.reshape(nearest, (b, l, d))

# --- scband reference (transcript-rebuilt; emitter-appended) ---
"""Pipeline reference for scband-nearest-token-look-up-31147102831265 (READ-ONLY COPY).

The authoritative reference and input builder live on the scoring server;
editing this copy changes nothing except your own understanding.
"""

import jax, jax.numpy as jnp
import numpy as np


def setup_inputs(seed: int = 0) -> dict:
    key = jax.random.key(seed)
    k1, k2 = jax.random.split(key)
    z = jax.random.normal(k1, (8, 4, 16), dtype=jnp.float32)
    all_z = jax.random.normal(k2, (1000000, 16), dtype=jnp.float32)
    return {"z": z, "all_z": all_z}


def reference(z, all_z):
    # Faithful jax translation of NearestTokenLookUp.get_nearest_z:
    # flatten (b, l, d) -> (b*l, d), find 1-NN (Euclidean) in the precomputed
    # vocabulary code table all_z, gather nearest codes, reshape back.
    b, l, d = z.shape
    zf = jnp.reshape(z, (-1, d))
    # squared euclidean distances: |z|^2 - 2 z.k + |k|^2
    z_sq = jnp.sum(zf * zf, axis=1, keepdims=True)          # [Q, 1]
    k_sq = jnp.sum(all_z * all_z, axis=1)                   # [K]
    d2 = z_sq - 2.0 * (zf @ all_z.T) + k_sq[None, :]        # [Q, K]
    idx = jnp.argmin(d2, axis=1)                            # 1-NN (n_neighbors=1)
    nearest = jnp.take(all_z, idx, axis=0)                  # gather nearest codes
    nearest_z = jnp.reshape(nearest, (b, l, d))
    return nearest_z

if __name__ == "__main__":
    import jax
    _d = setup_inputs()
    print(jax.jit(kernel)(*tuple(_d.values())))

</pallas_src>

<mosaic_0001>
#map = affine_map<(d0, d1) -> (0)>
#map1 = affine_map<(d0, d1) -> (0, 0)>
module attributes {stable_mosaic.version = 14 : i64} {
  func.func @gather(%arg0: i32, %arg1: i32, %arg2: memref<32xi32, #tpu.memory_space<hbm>>, %arg3: memref<1000000x16xf32, #tpu.memory_space<hbm>>, %arg4: memref<32x16xf32, #tpu.memory_space<hbm>>, %arg5: memref<32xi32, #tpu.memory_space<vmem>>, %arg6: memref<32x16xf32, #tpu.memory_space<vmem>>, %arg7: memref<!tpu.dma_semaphore, #tpu.memory_space<semaphore_mem>>) attributes {dimension_semantics = [#tpu.dimension_semantics<core_parallel>, #tpu.dimension_semantics<subcore_parallel>], iteration_bounds = array<i64: 2, 16>, scalar_prefetch = 0 : i64, scratch_operands = 3 : i64, tpu.core_type = #tpu.core_type<sc_vector_subcore>, window_params = [{transform_indices = #map}, {transform_indices = #map1}, {transform_indices = #map1}]} {
    %mul3A = arith.constant 2 : i32
    %mul3A_0 = arith.muli %arg1, %mul3A : i32
    %add3A = arith.addi %mul3A_0, %arg0 : i32
    %eq3A = arith.constant 0 : i32
    %eq3A_1 = arith.cmpi eq, %add3A, %eq3A : i32
    %convert_element_type3A = arith.extui %eq3A_1 : i1 to i32
    %cond3A = arith.constant 0 : i32
    %cond3A_2 = arith.cmpi ne, %convert_element_type3A, %cond3A : i32
    scf.if %cond3A_2 {
      "tpu.region"() ({
        %run_scoped3A = tpu.sem_alloc : memref<!tpu.dma_semaphore, #tpu.memory_space<semaphore_mem>>
        tpu.enqueue_dma source(%arg2 : memref<32xi32, #tpu.memory_space<hbm>>) target(%arg5 : memref<32xi32, #tpu.memory_space<vmem>>) target_semaphore(%run_scoped3A : memref<!tpu.dma_semaphore, #tpu.memory_space<semaphore_mem>>)
        tpu.wait_dma2 semaphore(%run_scoped3A : memref<!tpu.dma_semaphore, #tpu.memory_space<semaphore_mem>>) src(%arg2 : memref<32xi32, #tpu.memory_space<hbm>>) dst(%arg5 : memref<32xi32, #tpu.memory_space<vmem>>)
        tpu.yield
      }) : () -> ()
      %get3A = arith.constant 0 : index
      %get3A_3 = tpu.vector_load %arg5[%get3A] {strides = array<i32>} : memref<32xi32, #tpu.memory_space<vmem>>, vector<16xi32>,
      %get3A_4 = vector.shape_cast %get3A_3 : vector<16xi32> to vector<16xi32>
      %slice3A = vector.extract_strided_slice %get3A_4 {offsets = [0], sizes = [1], strides = [1]} : vector<16xi32> to vector<1xi32>
      %squeeze3A = vector.extract %slice3A[0] : i32 from vector<1xi32>
      %dma_start3A = arith.constant 0 : i32
      %dma_start3A_5 = arith.constant 0 : i32
      %dma_start3A_6 = tpu.memref_slice %arg6[%dma_start3A, %dma_start3A_5] : memref<32x16xf32, #tpu.memory_space<vmem>> -> memref<1x16xf32, #tpu.memory_space<vmem>>
      %dma_start3A_7 = arith.constant 0 : i32
      %dma_start3A_8 = tpu.memref_slice %arg3[%squeeze3A, %dma_start3A_7] : memref<1000000x16xf32, #tpu.memory_space<hbm>> -> memref<1x16xf32, #tpu.memory_space<hbm>>
      %dma_start3A_9 = arith.constant 0 : i32
      %dma_start3A_10 = arith.constant 0 : i32
      %dma_start3A_11 = tpu.memref_slice %arg6[%dma_start3A_9, %dma_start3A_10] : memref<32x16xf32, #tpu.memory_space<vmem>> -> memref<1x16xf32, #tpu.memory_space<vmem>>
      %dma_start3A_12 = arith.constant 0 : i32
      %dma_start3A_13 = tpu.memref_slice %arg3[%squeeze3A, %dma_start3A_12] : memref<1000000x16xf32, #tpu.memory_space<hbm>> -> memref<1x16xf32, #tpu.memory_space<hbm>>
      tpu.enqueue_dma source(%dma_start3A_13 : memref<1x16xf32, #tpu.memory_space<hbm>>) target(%dma_start3A_11 : memref<1x16xf32, #tpu.memory_space<vmem>>) target_semaphore(%arg7 : memref<!tpu.dma_semaphore, #tpu.memory_space<semaphore_mem>>)
      %slice3A_14 = vector.extract_strided_slice %get3A_4 {offsets = [1], sizes = [1], strides = [1]} : vector<16xi32> to vector<1xi32>
      %squeeze3A_15 = vector.extract %slice3A_14[0] : i32 from vector<1xi32>
      %dma_start3A_16 = arith.constant 1 : i32
      %dma_start3A_17 = arith.constant 0 : i32
      %dma_start3A_18 = tpu.memref_slice %arg6[%dma_start3A_16, %dma_start3A_17] : memref<32x16xf32, #tpu.memory_space<vmem>> -> memref<1x16xf32, #tpu.memory_space<vmem>>
      %dma_start3A_19 = arith.constant 0 : i32
      %dma_start3A_20 = tpu.memref_slice %arg3[%squeeze3A_15, %dma_start3A_19] : memref<1000000x16xf32, #tpu.memory_space<hbm>> -> memref<1x16xf32, #tpu.memory_space<hbm>>
      %dma_start3A_21 = arith.constant 1 : i32
      %dma_start3A_22 = arith.constant 0 : i32
      %dma_start3A_23 = tpu.memref_slice %arg6[%dma_start3A_21, %dma_start3A_22] : memref<32x16xf32, #tpu.memory_space<vmem>> -> memref<1x16xf32, #tpu.memory_space<vmem>>
      %dma_start3A_24 = arith.constant 0 : i32
      %dma_start3A_25 = tpu.memref_slice %arg3[%squeeze3A_15, %dma_start3A_24] : memref<1000000x16xf32, #tpu.memory_space<hbm>> -> memref<1x16xf32, #tpu.memory_space<hbm>>
      tpu.enqueue_dma source(%dma_start3A_25 : memref<1x16xf32, #tpu.memory_space<hbm>>) target(%dma_start3A_23 : memref<1x16xf32, #tpu.memory_space<vmem>>) target_semaphore(%arg7 : memref<!tpu.dma_semaphore, #tpu.memory_space<semaphore_mem>>)
      %slice3A_26 = vector.extract_strided_slice %get3A_4 {offsets = [2], sizes = [1], strides = [1]} : vector<16xi32> to vector<1xi32>
      %squeeze3A_27 = vector.extract %slice3A_26[0] : i32 from vector<1xi32>
      %dma_start3A_28 = arith.constant 2 : i32
      %dma_start3A_29 = arith.constant 0 : i32
      %dma_start3A_30 = tpu.memref_slice %arg6[%dma_start3A_28, %dma_start3A_29] : memref<32x16xf32, #tpu.memory_space<vmem>> -> memref<1x16xf32, #tpu.memory_space<vmem>>
      %dma_start3A_31 = arith.constant 0 : i32
      %dma_start3A_32 = tpu.memref_slice %arg3[%squeeze3A_27, %dma_start3A_31] : memref<1000000x16xf32, #tpu.memory_space<hbm>> -> memref<1x16xf32, #tpu.memory_space<hbm>>
      %dma_start3A_33 = arith.constant 2 : i32
      %dma_start3A_34 = arith.constant 0 : i32
      %dma_start3A_35 = tpu.memref_slice %arg6[%dma_start3A_33, %dma_start3A_34] : memref<32x16xf32, #tpu.memory_space<vmem>> -> memref<1x16xf32, #tpu.memory_space<vmem>>
      %dma_start3A_36 = arith.constant 0 : i32
      %dma_start3A_37 = tpu.memref_slice %arg3[%squeeze3A_27, %dma_start3A_36] : memref<1000000x16xf32, #tpu.memory_space<hbm>> -> memref<1x16xf32, #tpu.memory_space<hbm>>
      tpu.enqueue_dma source(%dma_start3A_37 : memref<1x16xf32, #tpu.memory_space<hbm>>) target(%dma_start3A_35 : memref<1x16xf32, #tpu.memory_space<vmem>>) target_semaphore(%arg7 : memref<!tpu.dma_semaphore, #tpu.memory_space<semaphore_mem>>)
      %slice3A_38 = vector.extract_strided_slice %get3A_4 {offsets = [3], sizes = [1], strides = [1]} : vector<16xi32> to vector<1xi32>
      %squeeze3A_39 = vector.extract %slice3A_38[0] : i32 from vector<1xi32>
      %dma_start3A_40 = arith.constant 3 : i32
      %dma_start3A_41 = arith.constant 0 : i32
      %dma_start3A_42 = tpu.memref_slice %arg6[%dma_start3A_40, %dma_start3A_41] : memref<32x16xf32, #tpu.memory_space<vmem>> -> memref<1x16xf32, #tpu.memory_space<vmem>>
      %dma_start3A_43 = arith.constant 0 : i32
      %dma_start3A_44 = tpu.memref_slice %arg3[%squeeze3A_39, %dma_start3A_43] : memref<1000000x16xf32, #tpu.memory_space<hbm>> -> memref<1x16xf32, #tpu.memory_space<hbm>>
      %dma_start3A_45 = arith.constant 3 : i32
      %dma_start3A_46 = arith.constant 0 : i32
      %dma_start3A_47 = tpu.memref_slice %arg6[%dma_start3A_45, %dma_start3A_46] : memref<32x16xf32, #tpu.memory_space<vmem>> -> memref<1x16xf32, #tpu.memory_space<vmem>>
      %dma_start3A_48 = arith.constant 0 : i32
      %dma_start3A_49 = tpu.memref_slice %arg3[%squeeze3A_39, %dma_start3A_48] : memref<1000000x16xf32, #tpu.memory_space<hbm>> -> memref<1x16xf32, #tpu.memory_space<hbm>>
      tpu.enqueue_dma source(%dma_start3A_49 : memref<1x16xf32, #tpu.memory_space<hbm>>) target(%dma_start3A_47 : memref<1x16xf32, #tpu.memory_space<vmem>>) target_semaphore(%arg7 : memref<!tpu.dma_semaphore, #tpu.memory_space<semaphore_mem>>)
      %slice3A_50 = vector.extract_strided_slice %get3A_4 {offsets = [4], sizes = [1], strides = [1]} : vector<16xi32> to vector<1xi32>
      %squeeze3A_51 = vector.extract %slice3A_50[0] : i32 from vector<1xi32>
      %dma_start3A_52 = arith.constant 4 : i32
      %dma_start3A_53 = arith.constant 0 : i32
      %dma_start3A_54 = tpu.memref_slice %arg6[%dma_start3A_52, %dma_start3A_53] : memref<32x16xf32, #tpu.memory_space<vmem>> -> memref<1x16xf32, #tpu.memory_space<vmem>>
      %dma_start3A_55 = arith.constant 0 : i32
      %dma_start3A_56 = tpu.memref_slice %arg3[%squeeze3A_51, %dma_start3A_55] : memref<1000000x16xf32, #tpu.memory_space<hbm>> -> memref<1x16xf32, #tpu.memory_space<hbm>>
      %dma_start3A_57 = arith.constant 4 : i32
      %dma_start3A_58 = arith.constant 0 : i32
      %dma_start3A_59 = tpu.memref_slice %arg6[%dma_start3A_57, %dma_start3A_58] : memref<32x16xf32, #tpu.memory_space<vmem>> -> memref<1x16xf32, #tpu.memory_space<vmem>>
      %dma_start3A_60 = arith.constant 0 : i32
      %dma_start3A_61 = tpu.memref_slice %arg3[%squeeze3A_51, %dma_start3A_60] : memref<1000000x16xf32, #tpu.memory_space<hbm>> -> memref<1x16xf32, #tpu.memory_space<hbm>>
      tpu.enqueue_dma source(%dma_start3A_61 : memref<1x16xf32, #tpu.memory_space<hbm>>) target(%dma_start3A_59 : memref<1x16xf32, #tpu.memory_space<vmem>>) target_semaphore(%arg7 : memref<!tpu.dma_semaphore, #tpu.memory_space<semaphore_mem>>)
      %slice3A_62 = vector.extract_strided_slice %get3A_4 {offsets = [5], sizes = [1], strides = [1]} : vector<16xi32> to vector<1xi32>
      %squeeze3A_63 = vector.extract %slice3A_62[0] : i32 from vector<1xi32>
      %dma_start3A_64 = arith.constant 5 : i32
      %dma_start3A_65 = arith.constant 0 : i32
      %dma_start3A_66 = tpu.memref_slice %arg6[%dma_start3A_64, %dma_start3A_65] : memref<32x16xf32, #tpu.memory_space<vmem>> -> memref<1x16xf32, #tpu.memory_space<vmem>>
      %dma_start3A_67 = arith.constant 0 : i32
      %dma_start3A_68 = tpu.memref_slice %arg3[%squeeze3A_63, %dma_start3A_67] : memref<1000000x16xf32, #tpu.memory_space<hbm>> -> memref<1x16xf32, #tpu.memory_space<hbm>>
      %dma_start3A_69 = arith.constant 5 : i32
      %dma_start3A_70 = arith.constant 0 : i32
      %dma_start3A_71 = tpu.memref_slice %arg6[%dma_start3A_69, %dma_start3A_70] : memref<32x16xf32, #tpu.memory_space<vmem>> -> memref<1x16xf32, #tpu.memory_space<vmem>>
      %dma_start3A_72 = arith.constant 0 : i32
      %dma_start3A_73 = tpu.memref_slice %arg3[%squeeze3A_63, %dma_start3A_72] : memref<1000000x16xf32, #tpu.memory_space<hbm>> -> memref<1x16xf32, #tpu.memory_space<hbm>>
      tpu.enqueue_dma source(%dma_start3A_73 : memref<1x16xf32, #tpu.memory_space<hbm>>) target(%dma_start3A_71 : memref<1x16xf32, #tpu.memory_space<vmem>>) target_semaphore(%arg7 : memref<!tpu.dma_semaphore, #tpu.memory_space<semaphore_mem>>)
      %slice3A_74 = vector.extract_strided_slice %get3A_4 {offsets = [6], sizes = [1], strides = [1]} : vector<16xi32> to vector<1xi32>
      %squeeze3A_75 = vector.extract %slice3A_74[0] : i32 from vector<1xi32>
      %dma_start3A_76 = arith.constant 6 : i32
      %dma_start3A_77 = arith.constant 0 : i32
      %dma_start3A_78 = tpu.memref_slice %arg6[%dma_start3A_76, %dma_start3A_77] : memref<32x16xf32, #tpu.memory_space<vmem>> -> memref<1x16xf32, #tpu.memory_space<vmem>>
      %dma_start3A_79 = arith.constant 0 : i32
      %dma_start3A_80 = tpu.memref_slice %arg3[%squeeze3A_75, %dma_start3A_79] : memref<1000000x16xf32, #tpu.memory_space<hbm>> -> memref<1x16xf32, #tpu.memory_space<hbm>>
      %dma_start3A_81 = arith.constant 6 : i32
      %dma_start3A_82 = arith.constant 0 : i32
      %dma_start3A_83 = tpu.memref_slice %arg6[%dma_start3A_81, %dma_start3A_82] : memref<32x16xf32, #tpu.memory_space<vmem>> -> memref<1x16xf32, #tpu.memory_space<vmem>>
      %dma_start3A_84 = arith.constant 0 : i32
      %dma_start3A_85 = tpu.memref_slice %arg3[%squeeze3A_75, %dma_start3A_84] : memref<1000000x16xf32, #tpu.memory_space<hbm>> -> memref<1x16xf32, #tpu.memory_space<hbm>>
      tpu.enqueue_dma source(%dma_start3A_85 : memref<1x16xf32, #tpu.memory_space<hbm>>) target(%dma_start3A_83 : memref<1x16xf32, #tpu.memory_space<vmem>>) target_semaphore(%arg7 : memref<!tpu.dma_semaphore, #tpu.memory_space<semaphore_mem>>)
      %slice3A_86 = vector.extract_strided_slice %get3A_4 {offsets = [7], sizes = [1], strides = [1]} : vector<16xi32> to vector<1xi32>
      %squeeze3A_87 = vector.extract %slice3A_86[0] : i32 from vector<1xi32>
      %dma_start3A_88 = arith.constant 7 : i32
      %dma_start3A_89 = arith.constant 0 : i32
      %dma_start3A_90 = tpu.memref_slice %arg6[%dma_start3A_88, %dma_start3A_89] : memref<32x16xf32, #tpu.memory_space<vmem>> -> memref<1x16xf32, #tpu.memory_space<vmem>>
      %dma_start3A_91 = arith.constant 0 : i32
      %dma_start3A_92 = tpu.memref_slice %arg3[%squeeze3A_87, %dma_start3A_91] : memref<1000000x16xf32, #tpu.memory_space<hbm>> -> memref<1x16xf32, #tpu.memory_space<hbm>>
      %dma_start3A_93 = arith.constant 7 : i32
      %dma_start3A_94 = arith.constant 0 : i32
      %dma_start3A_95 = tpu.memref_slice %arg6[%dma_start3A_93, %dma_start3A_94] : memref<32x16xf32, #tpu.memory_space<vmem>> -> memref<1x16xf32, #tpu.memory_space<vmem>>
      %dma_start3A_96 = arith.constant 0 : i32
      %dma_start3A_97 = tpu.memref_slice %arg3[%squeeze3A_87, %dma_start3A_96] : memref<1000000x16xf32, #tpu.memory_space<hbm>> -> memref<1x16xf32, #tpu.memory_space<hbm>>
      tpu.enqueue_dma source(%dma_start3A_97 : memref<1x16xf32, #tpu.memory_space<hbm>>) target(%dma_start3A_95 : memref<1x16xf32, #tpu.memory_space<vmem>>) target_semaphore(%arg7 : memref<!tpu.dma_semaphore, #tpu.memory_space<semaphore_mem>>)
      %slice3A_98 = vector.extract_strided_slice %get3A_4 {offsets = [8], sizes = [1], strides = [1]} : vector<16xi32> to vector<1xi32>
      %squeeze3A_99 = vector.extract %slice3A_98[0] : i32 from vector<1xi32>
      %dma_start3A_100 = arith.constant 8 : i32
      %dma_start3A_101 = arith.constant 0 : i32
      %dma_start3A_102 = tpu.memref_slice %arg6[%dma_start3A_100, %dma_start3A_101] : memref<32x16xf32, #tpu.memory_space<vmem>> -> memref<1x16xf32, #tpu.memory_space<vmem>>
      %dma_start3A_103 = arith.constant 0 : i32
      %dma_start3A_104 = tpu.memref_slice %arg3[%squeeze3A_99, %dma_start3A_103] : memref<1000000x16xf32, #tpu.memory_space<hbm>> -> memref<1x16xf32, #tpu.memory_space<hbm>>
      %dma_start3A_105 = arith.constant 8 : i32
      %dma_start3A_106 = arith.constant 0 : i32
      %dma_start3A_107 = tpu.memref_slice %arg6[%dma_start3A_105, %dma_start3A_106] : memref<32x16xf32, #tpu.memory_space<vmem>> -> memref<1x16xf32, #tpu.memory_space<vmem>>
      %dma_start3A_108 = arith.constant 0 : i32
      %dma_start3A_109 = tpu.memref_slice %arg3[%squeeze3A_99, %dma_start3A_108] : memref<1000000x16xf32, #tpu.memory_space<hbm>> -> memref<1x16xf32, #tpu.memory_space<hbm>>
      tpu.enqueue_dma source(%dma_start3A_109 : memref<1x16xf32, #tpu.memory_space<hbm>>) target(%dma_start3A_107 : memref<1x16xf32, #tpu.memory_space<vmem>>) target_semaphore(%arg7 : memref<!tpu.dma_semaphore, #tpu.memory_space<semaphore_mem>>)
      %slice3A_110 = vector.extract_strided_slice %get3A_4 {offsets = [9], sizes = [1], strides = [1]} : vector<16xi32> to vector<1xi32>
      %squeeze3A_111 = vector.extract %slice3A_110[0] : i32 from vector<1xi32>
      %dma_start3A_112 = arith.constant 9 : i32
      %dma_start3A_113 = arith.constant 0 : i32
      %dma_start3A_114 = tpu.memref_slice %arg6[%dma_start3A_112, %dma_start3A_113] : memref<32x16xf32, #tpu.memory_space<vmem>> -> memref<1x16xf32, #tpu.memory_space<vmem>>
      %dma_start3A_115 = arith.constant 0 : i32
      %dma_start3A_116 = tpu.memref_slice %arg3[%squeeze3A_111, %dma_start3A_115] : memref<1000000x16xf32, #tpu.memory_space<hbm>> -> memref<1x16xf32, #tpu.memory_space<hbm>>
      %dma_start3A_117 = arith.constant 9 : i32
      %dma_start3A_118 = arith.constant 0 : i32
      %dma_start3A_119 = tpu.memref_slice %arg6[%dma_start3A_117, %dma_start3A_118] : memref<32x16xf32, #tpu.memory_space<vmem>> -> memref<1x16xf32, #tpu.memory_space<vmem>>
      %dma_start3A_120 = arith.constant 0 : i32
      %dma_start3A_121 = tpu.memref_slice %arg3[%squeeze3A_111, %dma_start3A_120] : memref<1000000x16xf32, #tpu.memory_space<hbm>> -> memref<1x16xf32, #tpu.memory_space<hbm>>
      tpu.enqueue_dma source(%dma_start3A_121 : memref<1x16xf32, #tpu.memory_space<hbm>>) target(%dma_start3A_119 : memref<1x16xf32, #tpu.memory_space<vmem>>) target_semaphore(%arg7 : memref<!tpu.dma_semaphore, #tpu.memory_space<semaphore_mem>>)
      %slice3A_122 = vector.extract_strided_slice %get3A_4 {offsets = [10], sizes = [1], strides = [1]} : vector<16xi32> to vector<1xi32>
      %squeeze3A_123 = vector.extract %slice3A_122[0] : i32 from vector<1xi32>
      %dma_start3A_124 = arith.constant 10 : i32
      %dma_start3A_125 = arith.constant 0 : i32
      %dma_start3A_126 = tpu.memref_slice %arg6[%dma_start3A_124, %dma_start3A_125] : memref<32x16xf32, #tpu.memory_space<vmem>> -> memref<1x16xf32, #tpu.memory_space<vmem>>
      %dma_start3A_127 = arith.constant 0 : i32
      %dma_start3A_128 = tpu.memref_slice %arg3[%squeeze3A_123, %dma_start3A_127] : memref<1000000x16xf32, #tpu.memory_space<hbm>> -> memref<1x16xf32, #tpu.memory_space<hbm>>
      %dma_start3A_129 = arith.constant 10 : i32
      %dma_start3A_130 = arith.constant 0 : i32
      %dma_start3A_131 = tpu.memref_slice %arg6[%dma_start3A_129, %dma_start3A_130] : memref<32x16xf32, #tpu.memory_space<vmem>> -> memref<1x16xf32, #tpu.memory_space<vmem>>
      %dma_start3A_132 = arith.constant 0 : i32
      %dma_start3A_133 = tpu.memref_slice %arg3[%squeeze3A_123, %dma_start3A_132] : memref<1000000x16xf32, #tpu.memory_space<hbm>> -> memref<1x16xf32, #tpu.memory_space<hbm>>
      tpu.enqueue_dma source(%dma_start3A_133 : memref<1x16xf32, #tpu.memory_space<hbm>>) target(%dma_start3A_131 : memref<1x16xf32, #tpu.memory_space<vmem>>) target_semaphore(%arg7 : memref<!tpu.dma_semaphore, #tpu.memory_space<semaphore_mem>>)
      %slice3A_134 = vector.extract_strided_slice %get3A_4 {offsets = [11], sizes = [1], strides = [1]} : vector<16xi32> to vector<1xi32>
      %squeeze3A_135 = vector.extract %slice3A_134[0] : i32 from vector<1xi32>
      %dma_start3A_136 = arith.constant 11 : i32
      %dma_start3A_137 = arith.constant 0 : i32
      %dma_start3A_138 = tpu.memref_slice %arg6[%dma_start3A_136, %dma_start3A_137] : memref<32x16xf32, #tpu.memory_space<vmem>> -> memref<1x16xf32, #tpu.memory_space<vmem>>
      %dma_start3A_139 = arith.constant 0 : i32
      %dma_start3A_140 = tpu.memref_slice %arg3[%squeeze3A_135, %dma_start3A_139] : memref<1000000x16xf32, #tpu.memory_space<hbm>> -> memref<1x16xf32, #tpu.memory_space<hbm>>
      %dma_start3A_141 = arith.constant 11 : i32
      %dma_start3A_142 = arith.constant 0 : i32
      %dma_start3A_143 = tpu.memref_slice %arg6[%dma_start3A_141, %dma_start3A_142] : memref<32x16xf32, #tpu.memory_space<vmem>> -> memref<1x16xf32, #tpu.memory_space<vmem>>
      %dma_start3A_144 = arith.constant 0 : i32
      %dma_start3A_145 = tpu.memref_slice %arg3[%squeeze3A_135, %dma_start3A_144] : memref<1000000x16xf32, #tpu.memory_space<hbm>> -> memref<1x16xf32, #tpu.memory_space<hbm>>
      tpu.enqueue_dma source(%dma_start3A_145 : memref<1x16xf32, #tpu.memory_space<hbm>>) target(%dma_start3A_143 : memref<1x16xf32, #tpu.memory_space<vmem>>) target_semaphore(%arg7 : memref<!tpu.dma_semaphore, #tpu.memory_space<semaphore_mem>>)
      %slice3A_146 = vector.extract_strided_slice %get3A_4 {offsets = [12], sizes = [1], strides = [1]} : vector<16xi32> to vector<1xi32>
      %squeeze3A_147 = vector.extract %slice3A_146[0] : i32 from vector<1xi32>
      %dma_start3A_148 = arith.constant 12 : i32
      %dma_start3A_149 = arith.constant 0 : i32
      %dma_start3A_150 = tpu.memref_slice %arg6[%dma_start3A_148, %dma_start3A_149] : memref<32x16xf32, #tpu.memory_space<vmem>> -> memref<1x16xf32, #tpu.memory_space<vmem>>
      %dma_start3A_151 = arith.constant 0 : i32
      %dma_start3A_152 = tpu.memref_slice %arg3[%squeeze3A_147, %dma_start3A_151] : memref<1000000x16xf32, #tpu.memory_space<hbm>> -> memref<1x16xf32, #tpu.memory_space<hbm>>
      %dma_start3A_153 = arith.constant 12 : i32
      %dma_start3A_154 = arith.constant 0 : i32
      %dma_start3A_155 = tpu.memref_slice %arg6[%dma_start3A_153, %dma_start3A_154] : memref<32x16xf32, #tpu.memory_space<vmem>> -> memref<1x16xf32, #tpu.memory_space<vmem>>
      %dma_start3A_156 = arith.constant 0 : i32
      %dma_start3A_157 = tpu.memref_slice %arg3[%squeeze3A_147, %dma_start3A_156] : memref<1000000x16xf32, #tpu.memory_space<hbm>> -> memref<1x16xf32, #tpu.memory_space<hbm>>
      tpu.enqueue_dma source(%dma_start3A_157 : memref<1x16xf32, #tpu.memory_space<hbm>>) target(%dma_start3A_155 : memref<1x16xf32, #tpu.memory_space<vmem>>) target_semaphore(%arg7 : memref<!tpu.dma_semaphore, #tpu.memory_space<semaphore_mem>>)
      %slice3A_158 = vector.extract_strided_slice %get3A_4 {offsets = [13], sizes = [1], strides = [1]} : vector<16xi32> to vector<1xi32>
      %squeeze3A_159 = vector.extract %slice3A_158[0] : i32 from vector<1xi32>
      %dma_start3A_160 = arith.constant 13 : i32
      %dma_start3A_161 = arith.constant 0 : i32
      %dma_start3A_162 = tpu.memref_slice %arg6[%dma_start3A_160, %dma_start3A_161] : memref<32x16xf32, #tpu.memory_space<vmem>> -> memref<1x16xf32, #tpu.memory_space<vmem>>
      %dma_start3A_163 = arith.constant 0 : i32
      %dma_start3A_164 = tpu.memref_slice %arg3[%squeeze3A_159, %dma_start3A_163] : memref<1000000x16xf32, #tpu.memory_space<hbm>> -> memref<1x16xf32, #tpu.memory_space<hbm>>
      %dma_start3A_165 = arith.constant 13 : i32
      %dma_start3A_166 = arith.constant 0 : i32
      %dma_start3A_167 = tpu.memref_slice %arg6[%dma_start3A_165, %dma_start3A_166] : memref<32x16xf32, #tpu.memory_space<vmem>> -> memref<1x16xf32, #tpu.memory_space<vmem>>
      %dma_start3A_168 = arith.constant 0 : i32
      %dma_start3A_169 = tpu.memref_slice %arg3[%squeeze3A_159, %dma_start3A_168] : memref<1000000x16xf32, #tpu.memory_space<hbm>> -> memref<1x16xf32, #tpu.memory_space<hbm>>
      tpu.enqueue_dma source(%dma_start3A_169 : memref<1x16xf32, #tpu.memory_space<hbm>>) target(%dma_start3A_167 : memref<1x16xf32, #tpu.memory_space<vmem>>) target_semaphore(%arg7 : memref<!tpu.dma_semaphore, #tpu.memory_space<semaphore_mem>>)
      %slice3A_170 = vector.extract_strided_slice %get3A_4 {offsets = [14], sizes = [1], strides = [1]} : vector<16xi32> to vector<1xi32>
      %squeeze3A_171 = vector.extract %slice3A_170[0] : i32 from vector<1xi32>
      %dma_start3A_172 = arith.constant 14 : i32
      %dma_start3A_173 = arith.constant 0 : i32
      %dma_start3A_174 = tpu.memref_slice %arg6[%dma_start3A_172, %dma_start3A_173] : memref<32x16xf32, #tpu.memory_space<vmem>> -> memref<1x16xf32, #tpu.memory_space<vmem>>
      %dma_start3A_175 = arith.constant 0 : i32
      %dma_start3A_176 = tpu.memref_slice %arg3[%squeeze3A_171, %dma_start3A_175] : memref<1000000x16xf32, #tpu.memory_space<hbm>> -> memref<1x16xf32, #tpu.memory_space<hbm>>
      %dma_start3A_177 = arith.constant 14 : i32
      %dma_start3A_178 = arith.constant 0 : i32
      %dma_start3A_179 = tpu.memref_slice %arg6[%dma_start3A_177, %dma_start3A_178] : memref<32x16xf32, #tpu.memory_space<vmem>> -> memref<1x16xf32, #tpu.memory_space<vmem>>
      %dma_start3A_180 = arith.constant 0 : i32
      %dma_start3A_181 = tpu.memref_slice %arg3[%squeeze3A_171, %dma_start3A_180] : memref<1000000x16xf32, #tpu.memory_space<hbm>> -> memref<1x16xf32, #tpu.memory_space<hbm>>
      tpu.enqueue_dma source(%dma_start3A_181 : memref<1x16xf32, #tpu.memory_space<hbm>>) target(%dma_start3A_179 : memref<1x16xf32, #tpu.memory_space<vmem>>) target_semaphore(%arg7 : memref<!tpu.dma_semaphore, #tpu.memory_space<semaphore_mem>>)
      %slice3A_182 = vector.extract_strided_slice %get3A_4 {offsets = [15], sizes = [1], strides = [1]} : vector<16xi32> to vector<1xi32>
      %squeeze3A_183 = vector.extract %slice3A_182[0] : i32 from vector<1xi32>
      %dma_start3A_184 = arith.constant 15 : i32
      %dma_start3A_185 = arith.constant 0 : i32
      %dma_start3A_186 = tpu.memref_slice %arg6[%dma_start3A_184, %dma_start3A_185] : memref<32x16xf32, #tpu.memory_space<vmem>> -> memref<1x16xf32, #tpu.memory_space<vmem>>
      %dma_start3A_187 = arith.constant 0 : i32
      %dma_start3A_188 = tpu.memref_slice %arg3[%squeeze3A_183, %dma_start3A_187] : memref<1000000x16xf32, #tpu.memory_space<hbm>> -> memref<1x16xf32, #tpu.memory_space<hbm>>
      %dma_start3A_189 = arith.constant 15 : i32
      %dma_start3A_190 = arith.constant 0 : i32
      %dma_start3A_191 = tpu.memref_slice %arg6[%dma_start3A_189, %dma_start3A_190] : memref<32x16xf32, #tpu.memory_space<vmem>> -> memref<1x16xf32, #tpu.memory_space<vmem>>
      %dma_start3A_192 = arith.constant 0 : i32
      %dma_start3A_193 = tpu.memref_slice %arg3[%squeeze3A_183, %dma_start3A_192] : memref<1000000x16xf32, #tpu.memory_space<hbm>> -> memref<1x16xf32, #tpu.memory_space<hbm>>
      tpu.enqueue_dma source(%dma_start3A_193 : memref<1x16xf32, #tpu.memory_space<hbm>>) target(%dma_start3A_191 : memref<1x16xf32, #tpu.memory_space<vmem>>) target_semaphore(%arg7 : memref<!tpu.dma_semaphore, #tpu.memory_space<semaphore_mem>>)
      %get3A_194 = arith.constant 16 : index
      %get3A_195 = tpu.vector_load %arg5[%get3A_194] {strides = array<i32>} : memref<32xi32, #tpu.memory_space<vmem>>, vector<16xi32>,
      %get3A_196 = vector.shape_cast %get3A_195 : vector<16xi32> to vector<16xi32>
      %slice3A_197 = vector.extract_strided_slice %get3A_196 {offsets = [0], sizes = [1], strides = [1]} : vector<16xi32> to vector<1xi32>
      %squeeze3A_198 = vector.extract %slice3A_197[0] : i32 from vector<1xi32>
      %dma_start3A_199 = arith.constant 16 : i32
      %dma_start3A_200 = arith.constant 0 : i32
      %dma_start3A_201 = tpu.memref_slice %arg6[%dma_start3A_199, %dma_start3A_200] : memref<32x16xf32, #tpu.memory_space<vmem>> -> memref<1x16xf32, #tpu.memory_space<vmem>>
      %dma_start3A_202 = arith.constant 0 : i32
      %dma_start3A_203 = tpu.memref_slice %arg3[%squeeze3A_198, %dma_start3A_202] : memref<1000000x16xf32, #tpu.memory_space<hbm>> -> memref<1x16xf32, #tpu.memory_space<hbm>>
      %dma_start3A_204 = arith.constant 16 : i32
      %dma_start3A_205 = arith.constant 0 : i32
      %dma_start3A_206 = tpu.memref_slice %arg6[%dma_start3A_204, %dma_start3A_205] : memref<32x16xf32, #tpu.memory_space<vmem>> -> memref<1x16xf32, #tpu.memory_space<vmem>>
      %dma_start3A_207 = arith.constant 0 : i32
      %dma_start3A_208 = tpu.memref_slice %arg3[%squeeze3A_198, %dma_start3A_207] : memref<1000000x16xf32, #tpu.memory_space<hbm>> -> memref<1x16xf32, #tpu.memory_space<hbm>>
      tpu.enqueue_dma source(%dma_start3A_208 : memref<1x16xf32, #tpu.memory_space<hbm>>) target(%dma_start3A_206 : memref<1x16xf32, #tpu.memory_space<vmem>>) target_semaphore(%arg7 : memref<!tpu.dma_semaphore, #tpu.memory_space<semaphore_mem>>)
      %slice3A_209 = vector.extract_strided_slice %get3A_196 {offsets = [1], sizes = [1], strides = [1]} : vector<16xi32> to vector<1xi32>
      %squeeze3A_210 = vector.extract %slice3A_209[0] : i32 from vector<1xi32>
      %dma_start3A_211 = arith.constant 17 : i32
      %dma_start3A_212 = arith.constant 0 : i32
      %dma_start3A_213 = tpu.memref_slice %arg6[%dma_start3A_211, %dma_start3A_212] : memref<32x16xf32, #tpu.memory_space<vmem>> -> memref<1x16xf32, #tpu.memory_space<vmem>>
      %dma_start3A_214 = arith.constant 0 : i32
      %dma_start3A_215 = tpu.memref_slice %arg3[%squeeze3A_210, %dma_start3A_214] : memref<1000000x16xf32, #tpu.memory_space<hbm>> -> memref<1x16xf32, #tpu.memory_space<hbm>>
      %dma_start3A_216 = arith.constant 17 : i32
      %dma_start3A_217 = arith.constant 0 : i32
      %dma_start3A_218 = tpu.memref_slice %arg6[%dma_start3A_216, %dma_start3A_217] : memref<32x16xf32, #tpu.memory_space<vmem>> -> memref<1x16xf32, #tpu.memory_space<vmem>>
      %dma_start3A_219 = arith.constant 0 : i32
      %dma_start3A_220 = tpu.memref_slice %arg3[%squeeze3A_210, %dma_start3A_219] : memref<1000000x16xf32, #tpu.memory_space<hbm>> -> memref<1x16xf32, #tpu.memory_space<hbm>>
      tpu.enqueue_dma source(%dma_start3A_220 : memref<1x16xf32, #tpu.memory_space<hbm>>) target(%dma_start3A_218 : memref<1x16xf32, #tpu.memory_space<vmem>>) target_semaphore(%arg7 : memref<!tpu.dma_semaphore, #tpu.memory_space<semaphore_mem>>)
      %slice3A_221 = vector.extract_strided_slice %get3A_196 {offsets = [2], sizes = [1], strides = [1]} : vector<16xi32> to vector<1xi32>
      %squeeze3A_222 = vector.extract %slice3A_221[0] : i32 from vector<1xi32>
      %dma_start3A_223 = arith.constant 18 : i32
      %dma_start3A_224 = arith.constant 0 : i32
      %dma_start3A_225 = tpu.memref_slice %arg6[%dma_start3A_223, %dma_start3A_224] : memref<32x16xf32, #tpu.memory_space<vmem>> -> memref<1x16xf32, #tpu.memory_space<vmem>>
      %dma_start3A_226 = arith.constant 0 : i32
      %dma_start3A_227 = tpu.memref_slice %arg3[%squeeze3A_222, %dma_start3A_226] : memref<1000000x16xf32, #tpu.memory_space<hbm>> -> memref<1x16xf32, #tpu.memory_space<hbm>>
      %dma_start3A_228 = arith.constant 18 : i32
      %dma_start3A_229 = arith.constant 0 : i32
      %dma_start3A_230 = tpu.memref_slice %arg6[%dma_start3A_228, %dma_start3A_229] : memref<32x16xf32, #tpu.memory_space<vmem>> -> memref<1x16xf32, #tpu.memory_space<vmem>>
      %dma_start3A_231 = arith.constant 0 : i32
      %dma_start3A_232 = tpu.memref_slice %arg3[%squeeze3A_222, %dma_start3A_231] : memref<1000000x16xf32, #tpu.memory_space<hbm>> -> memref<1x16xf32, #tpu.memory_space<hbm>>
      tpu.enqueue_dma source(%dma_start3A_232 : memref<1x16xf32, #tpu.memory_space<hbm>>) target(%dma_start3A_230 : memref<1x16xf32, #tpu.memory_space<vmem>>) target_semaphore(%arg7 : memref<!tpu.dma_semaphore, #tpu.memory_space<semaphore_mem>>)
      %slice3A_233 = vector.extract_strided_slice %get3A_196 {offsets = [3], sizes = [1], strides = [1]} : vector<16xi32> to vector<1xi32>
      %squeeze3A_234 = vector.extract %slice3A_233[0] : i32 from vector<1xi32>
      %dma_start3A_235 = arith.constant 19 : i32
      %dma_start3A_236 = arith.constant 0 : i32
      %dma_start3A_237 = tpu.memref_slice %arg6[%dma_start3A_235, %dma_start3A_236] : memref<32x16xf32, #tpu.memory_space<vmem>> -> memref<1x16xf32, #tpu.memory_space<vmem>>
      %dma_start3A_238 = arith.constant 0 : i32
      %dma_start3A_239 = tpu.memref_slice %arg3[%squeeze3A_234, %dma_start3A_238] : memref<1000000x16xf32, #tpu.memory_space<hbm>> -> memref<1x16xf32, #tpu.memory_space<hbm>>
      %dma_start3A_240 = arith.constant 19 : i32
      %dma_start3A_241 = arith.constant 0 : i32
      %dma_start3A_242 = tpu.memref_slice %arg6[%dma_start3A_240, %dma_start3A_241] : memref<32x16xf32, #tpu.memory_space<vmem>> -> memref<1x16xf32, #tpu.memory_space<vmem>>
      %dma_start3A_243 = arith.constant 0 : i32
      %dma_start3A_244 = tpu.memref_slice %arg3[%squeeze3A_234, %dma_start3A_243] : memref<1000000x16xf32, #tpu.memory_space<hbm>> -> memref<1x16xf32, #tpu.memory_space<hbm>>
      tpu.enqueue_dma source(%dma_start3A_244 : memref<1x16xf32, #tpu.memory_space<hbm>>) target(%dma_start3A_242 : memref<1x16xf32, #tpu.memory_space<vmem>>) target_semaphore(%arg7 : memref<!tpu.dma_semaphore, #tpu.memory_space<semaphore_mem>>)
      %slice3A_245 = vector.extract_strided_slice %get3A_196 {offsets = [4], sizes = [1], strides = [1]} : vector<16xi32> to vector<1xi32>
      %squeeze3A_246 = vector.extract %slice3A_245[0] : i32 from vector<1xi32>
      %dma_start3A_247 = arith.constant 20 : i32
      %dma_start3A_248 = arith.constant 0 : i32
      %dma_start3A_249 = tpu.memref_slice %arg6[%dma_start3A_247, %dma_start3A_248] : memref<32x16xf32, #tpu.memory_space<vmem>> -> memref<1x16xf32, #tpu.memory_space<vmem>>
      %dma_start3A_250 = arith.constant 0 : i32
      %dma_start3A_251 = tpu.memref_slice %arg3[%squeeze3A_246, %dma_start3A_250] : memref<1000000x16xf32, #tpu.memory_space<hbm>> -> memref<1x16xf32, #tpu.memory_space<hbm>>
      %dma_start3A_252 = arith.constant 20 : i32
      %dma_start3A_253 = arith.constant 0 : i32
      %dma_start3A_254 = tpu.memref_slice %arg6[%dma_start3A_252, %dma_start3A_253] : memref<32x16xf32, #tpu.memory_space<vmem>> -> memref<1x16xf32, #tpu.memory_space<vmem>>
      %dma_start3A_255 = arith.constant 0 : i32
      %dma_start3A_256 = tpu.memref_slice %arg3[%squeeze3A_246, %dma_start3A_255] : memref<1000000x16xf32, #tpu.memory_space<hbm>> -> memref<1x16xf32, #tpu.memory_space<hbm>>
      tpu.enqueue_dma source(%dma_start3A_256 : memref<1x16xf32, #tpu.memory_space<hbm>>) target(%dma_start3A_254 : memref<1x16xf32, #tpu.memory_space<vmem>>) target_semaphore(%arg7 : memref<!tpu.dma_semaphore, #tpu.memory_space<semaphore_mem>>)
      %slice3A_257 = vector.extract_strided_slice %get3A_196 {offsets = [5], sizes = [1], strides = [1]} : vector<16xi32> to vector<1xi32>
      %squeeze3A_258 = vector.extract %slice3A_257[0] : i32 from vector<1xi32>
      %dma_start3A_259 = arith.constant 21 : i32
      %dma_start3A_260 = arith.constant 0 : i32
      %dma_start3A_261 = tpu.memref_slice %arg6[%dma_start3A_259, %dma_start3A_260] : memref<32x16xf32, #tpu.memory_space<vmem>> -> memref<1x16xf32, #tpu.memory_space<vmem>>
      %dma_start3A_262 = arith.constant 0 : i32
      %dma_start3A_263 = tpu.memref_slice %arg3[%squeeze3A_258, %dma_start3A_262] : memref<1000000x16xf32, #tpu.memory_space<hbm>> -> memref<1x16xf32, #tpu.memory_space<hbm>>
      %dma_start3A_264 = arith.constant 21 : i32
      %dma_start3A_265 = arith.constant 0 : i32
      %dma_start3A_266 = tpu.memref_slice %arg6[%dma_start3A_264, %dma_start3A_265] : memref<32x16xf32, #tpu.memory_space<vmem>> -> memref<1x16xf32, #tpu.memory_space<vmem>>
      %dma_start3A_267 = arith.constant 0 : i32
      %dma_start3A_268 = tpu.memref_slice %arg3[%squeeze3A_258, %dma_start3A_267] : memref<1000000x16xf32, #tpu.memory_space<hbm>> -> memref<1x16xf32, #tpu.memory_space<hbm>>
      tpu.enqueue_dma source(%dma_start3A_268 : memref<1x16xf32, #tpu.memory_space<hbm>>) target(%dma_start3A_266 : memref<1x16xf32, #tpu.memory_space<vmem>>) target_semaphore(%arg7 : memref<!tpu.dma_semaphore, #tpu.memory_space<semaphore_mem>>)
      %slice3A_269 = vector.extract_strided_slice %get3A_196 {offsets = [6], sizes = [1], strides = [1]} : vector<16xi32> to vector<1xi32>
      %squeeze3A_270 = vector.extract %slice3A_269[0] : i32 from vector<1xi32>
      %dma_start3A_271 = arith.constant 22 : i32
      %dma_start3A_272 = arith.constant 0 : i32
      %dma_start3A_273 = tpu.memref_slice %arg6[%dma_start3A_271, %dma_start3A_272] : memref<32x16xf32, #tpu.memory_space<vmem>> -> memref<1x16xf32, #tpu.memory_space<vmem>>
      %dma_start3A_274 = arith.constant 0 : i32
      %dma_start3A_275 = tpu.memref_slice %arg3[%squeeze3A_270, %dma_start3A_274] : memref<1000000x16xf32, #tpu.memory_space<hbm>> -> memref<1x16xf32, #tpu.memory_space<hbm>>
      %dma_start3A_276 = arith.constant 22 : i32
      %dma_start3A_277 = arith.constant 0 : i32
      %dma_start3A_278 = tpu.memref_slice %arg6[%dma_start3A_276, %dma_start3A_277] : memref<32x16xf32, #tpu.memory_space<vmem>> -> memref<1x16xf32, #tpu.memory_space<vmem>>
      %dma_start3A_279 = arith.constant 0 : i32
      %dma_start3A_280 = tpu.memref_slice %arg3[%squeeze3A_270, %dma_start3A_279] : memref<1000000x16xf32, #tpu.memory_space<hbm>> -> memref<1x16xf32, #tpu.memory_space<hbm>>
      tpu.enqueue_dma source(%dma_start3A_280 : memref<1x16xf32, #tpu.memory_space<hbm>>) target(%dma_start3A_278 : memref<1x16xf32, #tpu.memory_space<vmem>>) target_semaphore(%arg7 : memref<!tpu.dma_semaphore, #tpu.memory_space<semaphore_mem>>)
      %slice3A_281 = vector.extract_strided_slice %get3A_196 {offsets = [7], sizes = [1], strides = [1]} : vector<16xi32> to vector<1xi32>
      %squeeze3A_282 = vector.extract %slice3A_281[0] : i32 from vector<1xi32>
      %dma_start3A_283 = arith.constant 23 : i32
      %dma_start3A_284 = arith.constant 0 : i32
      %dma_start3A_285 = tpu.memref_slice %arg6[%dma_start3A_283, %dma_start3A_284] : memref<32x16xf32, #tpu.memory_space<vmem>> -> memref<1x16xf32, #tpu.memory_space<vmem>>
      %dma_start3A_286 = arith.constant 0 : i32
      %dma_start3A_287 = tpu.memref_slice %arg3[%squeeze3A_282, %dma_start3A_286] : memref<1000000x16xf32, #tpu.memory_space<hbm>> -> memref<1x16xf32, #tpu.memory_space<hbm>>
      %dma_start3A_288 = arith.constant 23 : i32
      %dma_start3A_289 = arith.constant 0 : i32
      %dma_start3A_290 = tpu.memref_slice %arg6[%dma_start3A_288, %dma_start3A_289] : memref<32x16xf32, #tpu.memory_space<vmem>> -> memref<1x16xf32, #tpu.memory_space<vmem>>
      %dma_start3A_291 = arith.constant 0 : i32
      %dma_start3A_292 = tpu.memref_slice %arg3[%squeeze3A_282, %dma_start3A_291] : memref<1000000x16xf32, #tpu.memory_space<hbm>> -> memref<1x16xf32, #tpu.memory_space<hbm>>
      tpu.enqueue_dma source(%dma_start3A_292 : memref<1x16xf32, #tpu.memory_space<hbm>>) target(%dma_start3A_290 : memref<1x16xf32, #tpu.memory_space<vmem>>) target_semaphore(%arg7 : memref<!tpu.dma_semaphore, #tpu.memory_space<semaphore_mem>>)
      %slice3A_293 = vector.extract_strided_slice %get3A_196 {offsets = [8], sizes = [1], strides = [1]} : vector<16xi32> to vector<1xi32>
      %squeeze3A_294 = vector.extract %slice3A_293[0] : i32 from vector<1xi32>
      %dma_start3A_295 = arith.constant 24 : i32
      %dma_start3A_296 = arith.constant 0 : i32
      %dma_start3A_297 = tpu.memref_slice %arg6[%dma_start3A_295, %dma_start3A_296] : memref<32x16xf32, #tpu.memory_space<vmem>> -> memref<1x16xf32, #tpu.memory_space<vmem>>
      %dma_start3A_298 = arith.constant 0 : i32
      %dma_start3A_299 = tpu.memref_slice %arg3[%squeeze3A_294, %dma_start3A_298] : memref<1000000x16xf32, #tpu.memory_space<hbm>> -> memref<1x16xf32, #tpu.memory_space<hbm>>
      %dma_start3A_300 = arith.constant 24 : i32
      %dma_start3A_301 = arith.constant 0 : i32
      %dma_start3A_302 = tpu.memref_slice %arg6[%dma_start3A_300, %dma_start3A_301] : memref<32x16xf32, #tpu.memory_space<vmem>> -> memref<1x16xf32, #tpu.memory_space<vmem>>
      %dma_start3A_303 = arith.constant 0 : i32
      %dma_start3A_304 = tpu.memref_slice %arg3[%squeeze3A_294, %dma_start3A_303] : memref<1000000x16xf32, #tpu.memory_space<hbm>> -> memref<1x16xf32, #tpu.memory_space<hbm>>
      tpu.enqueue_dma source(%dma_start3A_304 : memref<1x16xf32, #tpu.memory_space<hbm>>) target(%dma_start3A_302 : memref<1x16xf32, #tpu.memory_space<vmem>>) target_semaphore(%arg7 : memref<!tpu.dma_semaphore, #tpu.memory_space<semaphore_mem>>)
      %slice3A_305 = vector.extract_strided_slice %get3A_196 {offsets = [9], sizes = [1], strides = [1]} : vector<16xi32> to vector<1xi32>
      %squeeze3A_306 = vector.extract %slice3A_305[0] : i32 from vector<1xi32>
      %dma_start3A_307 = arith.constant 25 : i32
      %dma_start3A_308 = arith.constant 0 : i32
      %dma_start3A_309 = tpu.memref_slice %arg6[%dma_start3A_307, %dma_start3A_308] : memref<32x16xf32, #tpu.memory_space<vmem>> -> memref<1x16xf32, #tpu.memory_space<vmem>>
      %dma_start3A_310 = arith.constant 0 : i32
      %dma_start3A_311 = tpu.memref_slice %arg3[%squeeze3A_306, %dma_start3A_310] : memref<1000000x16xf32, #tpu.memory_space<hbm>> -> memref<1x16xf32, #tpu.memory_space<hbm>>
      %dma_start3A_312 = arith.constant 25 : i32
      %dma_start3A_313 = arith.constant 0 : i32
      %dma_start3A_314 = tpu.memref_slice %arg6[%dma_start3A_312, %dma_start3A_313] : memref<32x16xf32, #tpu.memory_space<vmem>> -> memref<1x16xf32, #tpu.memory_space<vmem>>
      %dma_start3A_315 = arith.constant 0 : i32
      %dma_start3A_316 = tpu.memref_slice %arg3[%squeeze3A_306, %dma_start3A_315] : memref<1000000x16xf32, #tpu.memory_space<hbm>> -> memref<1x16xf32, #tpu.memory_space<hbm>>
      tpu.enqueue_dma source(%dma_start3A_316 : memref<1x16xf32, #tpu.memory_space<hbm>>) target(%dma_start3A_314 : memref<1x16xf32, #tpu.memory_space<vmem>>) target_semaphore(%arg7 : memref<!tpu.dma_semaphore, #tpu.memory_space<semaphore_mem>>)
      %slice3A_317 = vector.extract_strided_slice %get3A_196 {offsets = [10], sizes = [1], strides = [1]} : vector<16xi32> to vector<1xi32>
      %squeeze3A_318 = vector.extract %slice3A_317[0] : i32 from vector<1xi32>
      %dma_start3A_319 = arith.constant 26 : i32
      %dma_start3A_320 = arith.constant 0 : i32
      %dma_start3A_321 = tpu.memref_slice %arg6[%dma_start3A_319, %dma_start3A_320] : memref<32x16xf32, #tpu.memory_space<vmem>> -> memref<1x16xf32, #tpu.memory_space<vmem>>
      %dma_start3A_322 = arith.constant 0 : i32
      %dma_start3A_323 = tpu.memref_slice %arg3[%squeeze3A_318, %dma_start3A_322] : memref<1000000x16xf32, #tpu.memory_space<hbm>> -> memref<1x16xf32, #tpu.memory_space<hbm>>
      %dma_start3A_324 = arith.constant 26 : i32
      %dma_start3A_325 = arith.constant 0 : i32
      %dma_start3A_326 = tpu.memref_slice %arg6[%dma_start3A_324, %dma_start3A_325] : memref<32x16xf32, #tpu.memory_space<vmem>> -> memref<1x16xf32, #tpu.memory_space<vmem>>
      %dma_start3A_327 = arith.constant 0 : i32
      %dma_start3A_328 = tpu.memref_slice %arg3[%squeeze3A_318, %dma_start3A_327] : memref<1000000x16xf32, #tpu.memory_space<hbm>> -> memref<1x16xf32, #tpu.memory_space<hbm>>
      tpu.enqueue_dma source(%dma_start3A_328 : memref<1x16xf32, #tpu.memory_space<hbm>>) target(%dma_start3A_326 : memref<1x16xf32, #tpu.memory_space<vmem>>) target_semaphore(%arg7 : memref<!tpu.dma_semaphore, #tpu.memory_space<semaphore_mem>>)
      %slice3A_329 = vector.extract_strided_slice %get3A_196 {offsets = [11], sizes = [1], strides = [1]} : vector<16xi32> to vector<1xi32>
      %squeeze3A_330 = vector.extract %slice3A_329[0] : i32 from vector<1xi32>
      %dma_start3A_331 = arith.constant 27 : i32
      %dma_start3A_332 = arith.constant 0 : i32
      %dma_start3A_333 = tpu.memref_slice %arg6[%dma_start3A_331, %dma_start3A_332] : memref<32x16xf32, #tpu.memory_space<vmem>> -> memref<1x16xf32, #tpu.memory_space<vmem>>
      %dma_start3A_334 = arith.constant 0 : i32
      %dma_start3A_335 = tpu.memref_slice %arg3[%squeeze3A_330, %dma_start3A_334] : memref<1000000x16xf32, #tpu.memory_space<hbm>> -> memref<1x16xf32, #tpu.memory_space<hbm>>
      %dma_start3A_336 = arith.constant 27 : i32
      %dma_start3A_337 = arith.constant 0 : i32
      %dma_start3A_338 = tpu.memref_slice %arg6[%dma_start3A_336, %dma_start3A_337] : memref<32x16xf32, #tpu.memory_space<vmem>> -> memref<1x16xf32, #tpu.memory_space<vmem>>
      %dma_start3A_339 = arith.constant 0 : i32
      %dma_start3A_340 = tpu.memref_slice %arg3[%squeeze3A_330, %dma_start3A_339] : memref<1000000x16xf32, #tpu.memory_space<hbm>> -> memref<1x16xf32, #tpu.memory_space<hbm>>
      tpu.enqueue_dma source(%dma_start3A_340 : memref<1x16xf32, #tpu.memory_space<hbm>>) target(%dma_start3A_338 : memref<1x16xf32, #tpu.memory_space<vmem>>) target_semaphore(%arg7 : memref<!tpu.dma_semaphore, #tpu.memory_space<semaphore_mem>>)
      %slice3A_341 = vector.extract_strided_slice %get3A_196 {offsets = [12], sizes = [1], strides = [1]} : vector<16xi32> to vector<1xi32>
      %squeeze3A_342 = vector.extract %slice3A_341[0] : i32 from vector<1xi32>
      %dma_start3A_343 = arith.constant 28 : i32
      %dma_start3A_344 = arith.constant 0 : i32
      %dma_start3A_345 = tpu.memref_slice %arg6[%dma_start3A_343, %dma_start3A_344] : memref<32x16xf32, #tpu.memory_space<vmem>> -> memref<1x16xf32, #tpu.memory_space<vmem>>
      %dma_start3A_346 = arith.constant 0 : i32
      %dma_start3A_347 = tpu.memref_slice %arg3[%squeeze3A_342, %dma_start3A_346] : memref<1000000x16xf32, #tpu.memory_space<hbm>> -> memref<1x16xf32, #tpu.memory_space<hbm>>
      %dma_start3A_348 = arith.constant 28 : i32
      %dma_start3A_349 = arith.constant 0 : i32
      %dma_start3A_350 = tpu.memref_slice %arg6[%dma_start3A_348, %dma_start3A_349] : memref<32x16xf32, #tpu.memory_space<vmem>> -> memref<1x16xf32, #tpu.memory_space<vmem>>
      %dma_start3A_351 = arith.constant 0 : i32
      %dma_start3A_352 = tpu.memref_slice %arg3[%squeeze3A_342, %dma_start3A_351] : memref<1000000x16xf32, #tpu.memory_space<hbm>> -> memref<1x16xf32, #tpu.memory_space<hbm>>
      tpu.enqueue_dma source(%dma_start3A_352 : memref<1x16xf32, #tpu.memory_space<hbm>>) target(%dma_start3A_350 : memref<1x16xf32, #tpu.memory_space<vmem>>) target_semaphore(%arg7 : memref<!tpu.dma_semaphore, #tpu.memory_space<semaphore_mem>>)
      %slice3A_353 = vector.extract_strided_slice %get3A_196 {offsets = [13], sizes = [1], strides = [1]} : vector<16xi32> to vector<1xi32>
      %squeeze3A_354 = vector.extract %slice3A_353[0] : i32 from vector<1xi32>
      %dma_start3A_355 = arith.constant 29 : i32
      %dma_start3A_356 = arith.constant 0 : i32
      %dma_start3A_357 = tpu.memref_slice %arg6[%dma_start3A_355, %dma_start3A_356] : memref<32x16xf32, #tpu.memory_space<vmem>> -> memref<1x16xf32, #tpu.memory_space<vmem>>
      %dma_start3A_358 = arith.constant 0 : i32
      %dma_start3A_359 = tpu.memref_slice %arg3[%squeeze3A_354, %dma_start3A_358] : memref<1000000x16xf32, #tpu.memory_space<hbm>> -> memref<1x16xf32, #tpu.memory_space<hbm>>
      %dma_start3A_360 = arith.constant 29 : i32
      %dma_start3A_361 = arith.constant 0 : i32
      %dma_start3A_362 = tpu.memref_slice %arg6[%dma_start3A_360, %dma_start3A_361] : memref<32x16xf32, #tpu.memory_space<vmem>> -> memref<1x16xf32, #tpu.memory_space<vmem>>
      %dma_start3A_363 = arith.constant 0 : i32
      %dma_start3A_364 = tpu.memref_slice %arg3[%squeeze3A_354, %dma_start3A_363] : memref<1000000x16xf32, #tpu.memory_space<hbm>> -> memref<1x16xf32, #tpu.memory_space<hbm>>
      tpu.enqueue_dma source(%dma_start3A_364 : memref<1x16xf32, #tpu.memory_space<hbm>>) target(%dma_start3A_362 : memref<1x16xf32, #tpu.memory_space<vmem>>) target_semaphore(%arg7 : memref<!tpu.dma_semaphore, #tpu.memory_space<semaphore_mem>>)
      %slice3A_365 = vector.extract_strided_slice %get3A_196 {offsets = [14], sizes = [1], strides = [1]} : vector<16xi32> to vector<1xi32>
      %squeeze3A_366 = vector.extract %slice3A_365[0] : i32 from vector<1xi32>
      %dma_start3A_367 = arith.constant 30 : i32
      %dma_start3A_368 = arith.constant 0 : i32
      %dma_start3A_369 = tpu.memref_slice %arg6[%dma_start3A_367, %dma_start3A_368] : memref<32x16xf32, #tpu.memory_space<vmem>> -> memref<1x16xf32, #tpu.memory_space<vmem>>
      %dma_start3A_370 = arith.constant 0 : i32
      %dma_start3A_371 = tpu.memref_slice %arg3[%squeeze3A_366, %dma_start3A_370] : memref<1000000x16xf32, #tpu.memory_space<hbm>> -> memref<1x16xf32, #tpu.memory_space<hbm>>
      %dma_start3A_372 = arith.constant 30 : i32
      %dma_start3A_373 = arith.constant 0 : i32
      %dma_start3A_374 = tpu.memref_slice %arg6[%dma_start3A_372, %dma_start3A_373] : memref<32x16xf32, #tpu.memory_space<vmem>> -> memref<1x16xf32, #tpu.memory_space<vmem>>
      %dma_start3A_375 = arith.constant 0 : i32
      %dma_start3A_376 = tpu.memref_slice %arg3[%squeeze3A_366, %dma_start3A_375] : memref<1000000x16xf32, #tpu.memory_space<hbm>> -> memref<1x16xf32, #tpu.memory_space<hbm>>
      tpu.enqueue_dma source(%dma_start3A_376 : memref<1x16xf32, #tpu.memory_space<hbm>>) target(%dma_start3A_374 : memref<1x16xf32, #tpu.memory_space<vmem>>) target_semaphore(%arg7 : memref<!tpu.dma_semaphore, #tpu.memory_space<semaphore_mem>>)
      %slice3A_377 = vector.extract_strided_slice %get3A_196 {offsets = [15], sizes = [1], strides = [1]} : vector<16xi32> to vector<1xi32>
      %squeeze3A_378 = vector.extract %slice3A_377[0] : i32 from vector<1xi32>
      %dma_start3A_379 = arith.constant 31 : i32
      %dma_start3A_380 = arith.constant 0 : i32
      %dma_start3A_381 = tpu.memref_slice %arg6[%dma_start3A_379, %dma_start3A_380] : memref<32x16xf32, #tpu.memory_space<vmem>> -> memref<1x16xf32, #tpu.memory_space<vmem>>
      %dma_start3A_382 = arith.constant 0 : i32
      %dma_start3A_383 = tpu.memref_slice %arg3[%squeeze3A_378, %dma_start3A_382] : memref<1000000x16xf32, #tpu.memory_space<hbm>> -> memref<1x16xf32, #tpu.memory_space<hbm>>
      %dma_start3A_384 = arith.constant 31 : i32
      %dma_start3A_385 = arith.constant 0 : i32
      %dma_start3A_386 = tpu.memref_slice %arg6[%dma_start3A_384, %dma_start3A_385] : memref<32x16xf32, #tpu.memory_space<vmem>> -> memref<1x16xf32, #tpu.memory_space<vmem>>
      %dma_start3A_387 = arith.constant 0 : i32
      %dma_start3A_388 = tpu.memref_slice %arg3[%squeeze3A_378, %dma_start3A_387] : memref<1000000x16xf32, #tpu.memory_space<hbm>> -> memref<1x16xf32, #tpu.memory_space<hbm>>
      tpu.enqueue_dma source(%dma_start3A_388 : memref<1x16xf32, #tpu.memory_space<hbm>>) target(%dma_start3A_386 : memref<1x16xf32, #tpu.memory_space<vmem>>) target_semaphore(%arg7 : memref<!tpu.dma_semaphore, #tpu.memory_space<semaphore_mem>>)
      %dma_wait3A = arith.constant 0 : i32
      %dma_wait3A_389 = arith.constant 0 : i32
      %dma_wait3A_390 = tpu.memref_slice %arg6[%dma_wait3A, %dma_wait3A_389] : memref<32x16xf32, #tpu.memory_space<vmem>> -> memref<1x16xf32, #tpu.memory_space<vmem>>
      %dma_wait3A_391 = arith.constant 0 : i32
      %dma_wait3A_392 = tpu.memref_slice %arg3[%squeeze3A, %dma_wait3A_391] : memref<1000000x16xf32, #tpu.memory_space<hbm>> -> memref<1x16xf32, #tpu.memory_space<hbm>>
      %dma_wait3A_393 = arith.constant 0 : i32
      %dma_wait3A_394 = arith.constant 0 : i32
      %dma_wait3A_395 = tpu.memref_slice %arg6[%dma_wait3A_393, %dma_wait3A_394] : memref<32x16xf32, #tpu.memory_space<vmem>> -> memref<1x16xf32, #tpu.memory_space<vmem>>
      %dma_wait3A_396 = arith.constant 0 : i32
      %dma_wait3A_397 = tpu.memref_slice %arg3[%squeeze3A, %dma_wait3A_396] : memref<1000000x16xf32, #tpu.memory_space<hbm>> -> memref<1x16xf32, #tpu.memory_space<hbm>>
      tpu.wait_dma2 semaphore(%arg7 : memref<!tpu.dma_semaphore, #tpu.memory_space<semaphore_mem>>) src(%dma_wait3A_397 : memref<1x16xf32, #tpu.memory_space<hbm>>) dst(%dma_wait3A_395 : memref<1x16xf32, #tpu.memory_space<vmem>>)
      %dma_wait3A_398 = arith.constant 1 : i32
      %dma_wait3A_399 = arith.constant 0 : i32
      %dma_wait3A_400 = tpu.memref_slice %arg6[%dma_wait3A_398, %dma_wait3A_399] : memref<32x16xf32, #tpu.memory_space<vmem>> -> memref<1x16xf32, #tpu.memory_space<vmem>>
      %dma_wait3A_401 = arith.constant 0 : i32
      %dma_wait3A_402 = tpu.memref_slice %arg3[%squeeze3A_15, %dma_wait3A_401] : memref<1000000x16xf32, #tpu.memory_space<hbm>> -> memref<1x16xf32, #tpu.memory_space<hbm>>
      %dma_wait3A_403 = arith.constant 1 : i32
      %dma_wait3A_404 = arith.constant 0 : i32
      %dma_wait3A_405 = tpu.memref_slice %arg6[%dma_wait3A_403, %dma_wait3A_404] : memref<32x16xf32, #tpu.memory_space<vmem>> -> memref<1x16xf32, #tpu.memory_space<vmem>>
      %dma_wait3A_406 = arith.constant 0 : i32
      %dma_wait3A_407 = tpu.memref_slice %arg3[%squeeze3A_15, %dma_wait3A_406] : memref<1000000x16xf32, #tpu.memory_space<hbm>> -> memref<1x16xf32, #tpu.memory_space<hbm>>
      tpu.wait_dma2 semaphore(%arg7 : memref<!tpu.dma_semaphore, #tpu.memory_space<semaphore_mem>>) src(%dma_wait3A_407 : memref<1x16xf32, #tpu.memory_space<hbm>>) dst(%dma_wait3A_405 : memref<1x16xf32, #tpu.memory_space<vmem>>)
      %dma_wait3A_408 = arith.constant 2 : i32
      %dma_wait3A_409 = arith.constant 0 : i32
      %dma_wait3A_410 = tpu.memref_slice %arg6[%dma_wait3A_408, %dma_wait3A_409] : memref<32x16xf32, #tpu.memory_space<vmem>> -> memref<1x16xf32, #tpu.memory_space<vmem>>
      %dma_wait3A_411 = arith.constant 0 : i32
      %dma_wait3A_412 = tpu.memref_slice %arg3[%squeeze3A_27, %dma_wait3A_411] : memref<1000000x16xf32, #tpu.memory_space<hbm>> -> memref<1x16xf32, #tpu.memory_space<hbm>>
      %dma_wait3A_413 = arith.constant 2 : i32
      %dma_wait3A_414 = arith.constant 0 : i32
      %dma_wait3A_415 = tpu.memref_slice %arg6[%dma_wait3A_413, %dma_wait3A_414] : memref<32x16xf32, #tpu.memory_space<vmem>> -> memref<1x16xf32, #tpu.memory_space<vmem>>
      %dma_wait3A_416 = arith.constant 0 : i32
      %dma_wait3A_417 = tpu.memref_slice %arg3[%squeeze3A_27, %dma_wait3A_416] : memref<1000000x16xf32, #tpu.memory_space<hbm>> -> memref<1x16xf32, #tpu.memory_space<hbm>>
      tpu.wait_dma2 semaphore(%arg7 : memref<!tpu.dma_semaphore, #tpu.memory_space<semaphore_mem>>) src(%dma_wait3A_417 : memref<1x16xf32, #tpu.memory_space<hbm>>) dst(%dma_wait3A_415 : memref<1x16xf32, #tpu.memory_space<vmem>>)
      %dma_wait3A_418 = arith.constant 3 : i32
      %dma_wait3A_419 = arith.constant 0 : i32
      %dma_wait3A_420 = tpu.memref_slice %arg6[%dma_wait3A_418, %dma_wait3A_419] : memref<32x16xf32, #tpu.memory_space<vmem>> -> memref<1x16xf32, #tpu.memory_space<vmem>>
      %dma_wait3A_421 = arith.constant 0 : i32
      %dma_wait3A_422 = tpu.memref_slice %arg3[%squeeze3A_39, %dma_wait3A_421] : memref<1000000x16xf32, #tpu.memory_space<hbm>> -> memref<1x16xf32, #tpu.memory_space<hbm>>
      %dma_wait3A_423 = arith.constant 3 : i32
      %dma_wait3A_424 = arith.constant 0 : i32
      %dma_wait3A_425 = tpu.memref_slice %arg6[%dma_wait3A_423, %dma_wait3A_424] : memref<32x16xf32, #tpu.memory_space<vmem>> -> memref<1x16xf32, #tpu.memory_space<vmem>>
      %dma_wait3A_426 = arith.constant 0 : i32
      %dma_wait3A_427 = tpu.memref_slice %arg3[%squeeze3A_39, %dma_wait3A_426] : memref<1000000x16xf32, #tpu.memory_space<hbm>> -> memref<1x16xf32, #tpu.memory_space<hbm>>
      tpu.wait_dma2 semaphore(%arg7 : memref<!tpu.dma_semaphore, #tpu.memory_space<semaphore_mem>>) src(%dma_wait3A_427 : memref<1x16xf32, #tpu.memory_space<hbm>>) dst(%dma_wait3A_425 : memref<1x16xf32, #tpu.memory_space<vmem>>)
      %dma_wait3A_428 = arith.constant 4 : i32
      %dma_wait3A_429 = arith.constant 0 : i32
      %dma_wait3A_430 = tpu.memref_slice %arg6[%dma_wait3A_428, %dma_wait3A_429] : memref<32x16xf32, #tpu.memory_space<vmem>> -> memref<1x16xf32, #tpu.memory_space<vmem>>
      %dma_wait3A_431 = arith.constant 0 : i32
      %dma_wait3A_432 = tpu.memref_slice %arg3[%squeeze3A_51, %dma_wait3A_431] : memref<1000000x16xf32, #tpu.memory_space<hbm>> -> memref<1x16xf32, #tpu.memory_space<hbm>>
      %dma_wait3A_433 = arith.constant 4 : i32
      %dma_wait3A_434 = arith.constant 0 : i32
      %dma_wait3A_435 = tpu.memref_slice %arg6[%dma_wait3A_433, %dma_wait3A_434] : memref<32x16xf32, #tpu.memory_space<vmem>> -> memref<1x16xf32, #tpu.memory_space<vmem>>
      %dma_wait3A_436 = arith.constant 0 : i32
      %dma_wait3A_437 = tpu.memref_slice %arg3[%squeeze3A_51, %dma_wait3A_436] : memref<1000000x16xf32, #tpu.memory_space<hbm>> -> memref<1x16xf32, #tpu.memory_space<hbm>>
      tpu.wait_dma2 semaphore(%arg7 : memref<!tpu.dma_semaphore, #tpu.memory_space<semaphore_mem>>) src(%dma_wait3A_437 : memref<1x16xf32, #tpu.memory_space<hbm>>) dst(%dma_wait3A_435 : memref<1x16xf32, #tpu.memory_space<vmem>>)
      %dma_wait3A_438 = arith.constant 5 : i32
      %dma_wait3A_439 = arith.constant 0 : i32
      %dma_wait3A_440 = tpu.memref_slice %arg6[%dma_wait3A_438, %dma_wait3A_439] : memref<32x16xf32, #tpu.memory_space<vmem>> -> memref<1x16xf32, #tpu.memory_space<vmem>>
      %dma_wait3A_441 = arith.constant 0 : i32
      %dma_wait3A_442 = tpu.memref_slice %arg3[%squeeze3A_63, %dma_wait3A_441] : memref<1000000x16xf32, #tpu.memory_space<hbm>> -> memref<1x16xf32, #tpu.memory_space<hbm>>
      %dma_wait3A_443 = arith.constant 5 : i32
      %dma_wait3A_444 = arith.constant 0 : i32
      %dma_wait3A_445 = tpu.memref_slice %arg6[%dma_wait3A_443, %dma_wait3A_444] : memref<32x16xf32, #tpu.memory_space<vmem>> -> memref<1x16xf32, #tpu.memory_space<vmem>>
      %dma_wait3A_446 = arith.constant 0 : i32
      %dma_wait3A_447 = tpu.memref_slice %arg3[%squeeze3A_63, %dma_wait3A_446] : memref<1000000x16xf32, #tpu.memory_space<hbm>> -> memref<1x16xf32, #tpu.memory_space<hbm>>
      tpu.wait_dma2 semaphore(%arg7 : memref<!tpu.dma_semaphore, #tpu.memory_space<semaphore_mem>>) src(%dma_wait3A_447 : memref<1x16xf32, #tpu.memory_space<hbm>>) dst(%dma_wait3A_445 : memref<1x16xf32, #tpu.memory_space<vmem>>)
      %dma_wait3A_448 = arith.constant 6 : i32
      %dma_wait3A_449 = arith.constant 0 : i32
      %dma_wait3A_450 = tpu.memref_slice %arg6[%dma_wait3A_448, %dma_wait3A_449] : memref<32x16xf32, #tpu.memory_space<vmem>> -> memref<1x16xf32, #tpu.memory_space<vmem>>
      %dma_wait3A_451 = arith.constant 0 : i32
      %dma_wait3A_452 = tpu.memref_slice %arg3[%squeeze3A_75, %dma_wait3A_451] : memref<1000000x16xf32, #tpu.memory_space<hbm>> -> memref<1x16xf32, #tpu.memory_space<hbm>>
      %dma_wait3A_453 = arith.constant 6 : i32
      %dma_wait3A_454 = arith.constant 0 : i32
      %dma_wait3A_455 = tpu.memref_slice %arg6[%dma_wait3A_453, %dma_wait3A_454] : memref<32x16xf32, #tpu.memory_space<vmem>> -> memref<1x16xf32, #tpu.memory_space<vmem>>
      %dma_wait3A_456 = arith.constant 0 : i32
      %dma_wait3A_457 = tpu.memref_slice %arg3[%squeeze3A_75, %dma_wait3A_456] : memref<1000000x16xf32, #tpu.memory_space<hbm>> -> memref<1x16xf32, #tpu.memory_space<hbm>>
      tpu.wait_dma2 semaphore(%arg7 : memref<!tpu.dma_semaphore, #tpu.memory_space<semaphore_mem>>) src(%dma_wait3A_457 : memref<1x16xf32, #tpu.memory_space<hbm>>) dst(%dma_wait3A_455 : memref<1x16xf32, #tpu.memory_space<vmem>>)
      %dma_wait3A_458 = arith.constant 7 : i32
      %dma_wait3A_459 = arith.constant 0 : i32
      %dma_wait3A_460 = tpu.memref_slice %arg6[%dma_wait3A_458, %dma_wait3A_459] : memref<32x16xf32, #tpu.memory_space<vmem>> -> memref<1x16xf32, #tpu.memory_space<vmem>>
      %dma_wait3A_461 = arith.constant 0 : i32
      %dma_wait3A_462 = tpu.memref_slice %arg3[%squeeze3A_87, %dma_wait3A_461] : memref<1000000x16xf32, #tpu.memory_space<hbm>> -> memref<1x16xf32, #tpu.memory_space<hbm>>
      %dma_wait3A_463 = arith.constant 7 : i32
      %dma_wait3A_464 = arith.constant 0 : i32
      %dma_wait3A_465 = tpu.memref_slice %arg6[%dma_wait3A_463, %dma_wait3A_464] : memref<32x16xf32, #tpu.memory_space<vmem>> -> memref<1x16xf32, #tpu.memory_space<vmem>>
      %dma_wait3A_466 = arith.constant 0 : i32
      %dma_wait3A_467 = tpu.memref_slice %arg3[%squeeze3A_87, %dma_wait3A_466] : memref<1000000x16xf32, #tpu.memory_space<hbm>> -> memref<1x16xf32, #tpu.memory_space<hbm>>
      tpu.wait_dma2 semaphore(%arg7 : memref<!tpu.dma_semaphore, #tpu.memory_space<semaphore_mem>>) src(%dma_wait3A_467 : memref<1x16xf32, #tpu.memory_space<hbm>>) dst(%dma_wait3A_465 : memref<1x16xf32, #tpu.memory_space<vmem>>)
      %dma_wait3A_468 = arith.constant 8 : i32
      %dma_wait3A_469 = arith.constant 0 : i32
      %dma_wait3A_470 = tpu.memref_slice %arg6[%dma_wait3A_468, %dma_wait3A_469] : memref<32x16xf32, #tpu.memory_space<vmem>> -> memref<1x16xf32, #tpu.memory_space<vmem>>
      %dma_wait3A_471 = arith.constant 0 : i32
      %dma_wait3A_472 = tpu.memref_slice %arg3[%squeeze3A_99, %dma_wait3A_471] : memref<1000000x16xf32, #tpu.memory_space<hbm>> -> memref<1x16xf32, #tpu.memory_space<hbm>>
      %dma_wait3A_473 = arith.constant 8 : i32
      %dma_wait3A_474 = arith.constant 0 : i32
      %dma_wait3A_475 = tpu.memref_slice %arg6[%dma_wait3A_473, %dma_wait3A_474] : memref<32x16xf32, #tpu.memory_space<vmem>> -> memref<1x16xf32, #tpu.memory_space<vmem>>
      %dma_wait3A_476 = arith.constant 0 : i32
      %dma_wait3A_477 = tpu.memref_slice %arg3[%squeeze3A_99, %dma_wait3A_476] : memref<1000000x16xf32, #tpu.memory_space<hbm>> -> memref<1x16xf32, #tpu.memory_space<hbm>>
      tpu.wait_dma2 semaphore(%arg7 : memref<!tpu.dma_semaphore, #tpu.memory_space<semaphore_mem>>) src(%dma_wait3A_477 : memref<1x16xf32, #tpu.memory_space<hbm>>) dst(%dma_wait3A_475 : memref<1x16xf32, #tpu.memory_space<vmem>>)
      %dma_wait3A_478 = arith.constant 9 : i32
      %dma_wait3A_479 = arith.constant 0 : i32
      %dma_wait3A_480 = tpu.memref_slice %arg6[%dma_wait3A_478, %dma_wait3A_479] : memref<32x16xf32, #tpu.memory_space<vmem>> -> memref<1x16xf32, #tpu.memory_space<vmem>>
      %dma_wait3A_481 = arith.constant 0 : i32
      %dma_wait3A_482 = tpu.memref_slice %arg3[%squeeze3A_111, %dma_wait3A_481] : memref<1000000x16xf32, #tpu.memory_space<hbm>> -> memref<1x16xf32, #tpu.memory_space<hbm>>
      %dma_wait3A_483 = arith.constant 9 : i32
      %dma_wait3A_484 = arith.constant 0 : i32
      %dma_wait3A_485 = tpu.memref_slice %arg6[%dma_wait3A_483, %dma_wait3A_484] : memref<32x16xf32, #tpu.memory_space<vmem>> -> memref<1x16xf32, #tpu.memory_space<vmem>>
      %dma_wait3A_486 = arith.constant 0 : i32
      %dma_wait3A_487 = tpu.memref_slice %arg3[%squeeze3A_111, %dma_wait3A_486] : memref<1000000x16xf32, #tpu.memory_space<hbm>> -> memref<1x16xf32, #tpu.memory_space<hbm>>
      tpu.wait_dma2 semaphore(%arg7 : memref<!tpu.dma_semaphore, #tpu.memory_space<semaphore_mem>>) src(%dma_wait3A_487 : memref<1x16xf32, #tpu.memory_space<hbm>>) dst(%dma_wait3A_485 : memref<1x16xf32, #tpu.memory_space<vmem>>)
      %dma_wait3A_488 = arith.constant 10 : i32
      %dma_wait3A_489 = arith.constant 0 : i32
      %dma_wait3A_490 = tpu.memref_slice %arg6[%dma_wait3A_488, %dma_wait3A_489] : memref<32x16xf32, #tpu.memory_space<vmem>> -> memref<1x16xf32, #tpu.memory_space<vmem>>
      %dma_wait3A_491 = arith.constant 0 : i32
      %dma_wait3A_492 = tpu.memref_slice %arg3[%squeeze3A_123, %dma_wait3A_491] : memref<1000000x16xf32, #tpu.memory_space<hbm>> -> memref<1x16xf32, #tpu.memory_space<hbm>>
      %dma_wait3A_493 = arith.constant 10 : i32
      %dma_wait3A_494 = arith.constant 0 : i32
      %dma_wait3A_495 = tpu.memref_slice %arg6[%dma_wait3A_493, %dma_wait3A_494] : memref<32x16xf32, #tpu.memory_space<vmem>> -> memref<1x16xf32, #tpu.memory_space<vmem>>
      %dma_wait3A_496 = arith.constant 0 : i32
      %dma_wait3A_497 = tpu.memref_slice %arg3[%squeeze3A_123, %dma_wait3A_496] : memref<1000000x16xf32, #tpu.memory_space<hbm>> -> memref<1x16xf32, #tpu.memory_space<hbm>>
      tpu.wait_dma2 semaphore(%arg7 : memref<!tpu.dma_semaphore, #tpu.memory_space<semaphore_mem>>) src(%dma_wait3A_497 : memref<1x16xf32, #tpu.memory_space<hbm>>) dst(%dma_wait3A_495 : memref<1x16xf32, #tpu.memory_space<vmem>>)
      %dma_wait3A_498 = arith.constant 11 : i32
      %dma_wait3A_499 = arith.constant 0 : i32
      %dma_wait3A_500 = tpu.memref_slice %arg6[%dma_wait3A_498, %dma_wait3A_499] : memref<32x16xf32, #tpu.memory_space<vmem>> -> memref<1x16xf32, #tpu.memory_space<vmem>>
      %dma_wait3A_501 = arith.constant 0 : i32
      %dma_wait3A_502 = tpu.memref_slice %arg3[%squeeze3A_135, %dma_wait3A_501] : memref<1000000x16xf32, #tpu.memory_space<hbm>> -> memref<1x16xf32, #tpu.memory_space<hbm>>
      %dma_wait3A_503 = arith.constant 11 : i32
      %dma_wait3A_504 = arith.constant 0 : i32
      %dma_wait3A_505 = tpu.memref_slice %arg6[%dma_wait3A_503, %dma_wait3A_504] : memref<32x16xf32, #tpu.memory_space<vmem>> -> memref<1x16xf32, #tpu.memory_space<vmem>>
      %dma_wait3A_506 = arith.constant 0 : i32
      %dma_wait3A_507 = tpu.memref_slice %arg3[%squeeze3A_135, %dma_wait3A_506] : memref<1000000x16xf32, #tpu.memory_space<hbm>> -> memref<1x16xf32, #tpu.memory_space<hbm>>
      tpu.wait_dma2 semaphore(%arg7 : memref<!tpu.dma_semaphore, #tpu.memory_space<semaphore_mem>>) src(%dma_wait3A_507 : memref<1x16xf32, #tpu.memory_space<hbm>>) dst(%dma_wait3A_505 : memref<1x16xf32, #tpu.memory_space<vmem>>)
      %dma_wait3A_508 = arith.constant 12 : i32
      %dma_wait3A_509 = arith.constant 0 : i32
      %dma_wait3A_510 = tpu.memref_slice %arg6[%dma_wait3A_508, %dma_wait3A_509] : memref<32x16xf32, #tpu.memory_space<vmem>> -> memref<1x16xf32, #tpu.memory_space<vmem>>
      %dma_wait3A_511 = arith.constant 0 : i32
      %dma_wait3A_512 = tpu.memref_slice %arg3[%squeeze3A_147, %dma_wait3A_511] : memref<1000000x16xf32, #tpu.memory_space<hbm>> -> memref<1x16xf32, #tpu.memory_space<hbm>>
      %dma_wait3A_513 = arith.constant 12 : i32
      %dma_wait3A_514 = arith.constant 0 : i32
      %dma_wait3A_515 = tpu.memref_slice %arg6[%dma_wait3A_513, %dma_wait3A_514] : memref<32x16xf32, #tpu.memory_space<vmem>> -> memref<1x16xf32, #tpu.memory_space<vmem>>
      %dma_wait3A_516 = arith.constant 0 : i32
      %dma_wait3A_517 = tpu.memref_slice %arg3[%squeeze3A_147, %dma_wait3A_516] : memref<1000000x16xf32, #tpu.memory_space<hbm>> -> memref<1x16xf32, #tpu.memory_space<hbm>>
      tpu.wait_dma2 semaphore(%arg7 : memref<!tpu.dma_semaphore, #tpu.memory_space<semaphore_mem>>) src(%dma_wait3A_517 : memref<1x16xf32, #tpu.memory_space<hbm>>) dst(%dma_wait3A_515 : memref<1x16xf32, #tpu.memory_space<vmem>>)
      %dma_wait3A_518 = arith.constant 13 : i32
      %dma_wait3A_519 = arith.constant 0 : i32
      %dma_wait3A_520 = tpu.memref_slice %arg6[%dma_wait3A_518, %dma_wait3A_519] : memref<32x16xf32, #tpu.memory_space<vmem>> -> memref<1x16xf32, #tpu.memory_space<vmem>>
      %dma_wait3A_521 = arith.constant 0 : i32
      %dma_wait3A_522 = tpu.memref_slice %arg3[%squeeze3A_159, %dma_wait3A_521] : memref<1000000x16xf32, #tpu.memory_space<hbm>> -> memref<1x16xf32, #tpu.memory_space<hbm>>
      %dma_wait3A_523 = arith.constant 13 : i32
      %dma_wait3A_524 = arith.constant 0 : i32
      %dma_wait3A_525 = tpu.memref_slice %arg6[%dma_wait3A_523, %dma_wait3A_524] : memref<32x16xf32, #tpu.memory_space<vmem>> -> memref<1x16xf32, #tpu.memory_space<vmem>>
      %dma_wait3A_526 = arith.constant 0 : i32
      %dma_wait3A_527 = tpu.memref_slice %arg3[%squeeze3A_159, %dma_wait3A_526] : memref<1000000x16xf32, #tpu.memory_space<hbm>> -> memref<1x16xf32, #tpu.memory_space<hbm>>
      tpu.wait_dma2 semaphore(%arg7 : memref<!tpu.dma_semaphore, #tpu.memory_space<semaphore_mem>>) src(%dma_wait3A_527 : memref<1x16xf32, #tpu.memory_space<hbm>>) dst(%dma_wait3A_525 : memref<1x16xf32, #tpu.memory_space<vmem>>)
      %dma_wait3A_528 = arith.constant 14 : i32
      %dma_wait3A_529 = arith.constant 0 : i32
      %dma_wait3A_530 = tpu.memref_slice %arg6[%dma_wait3A_528, %dma_wait3A_529] : memref<32x16xf32, #tpu.memory_space<vmem>> -> memref<1x16xf32, #tpu.memory_space<vmem>>
      %dma_wait3A_531 = arith.constant 0 : i32
      %dma_wait3A_532 = tpu.memref_slice %arg3[%squeeze3A_171, %dma_wait3A_531] : memref<1000000x16xf32, #tpu.memory_space<hbm>> -> memref<1x16xf32, #tpu.memory_space<hbm>>
      %dma_wait3A_533 = arith.constant 14 : i32
      %dma_wait3A_534 = arith.constant 0 : i32
      %dma_wait3A_535 = tpu.memref_slice %arg6[%dma_wait3A_533, %dma_wait3A_534] : memref<32x16xf32, #tpu.memory_space<vmem>> -> memref<1x16xf32, #tpu.memory_space<vmem>>
      %dma_wait3A_536 = arith.constant 0 : i32
      %dma_wait3A_537 = tpu.memref_slice %arg3[%squeeze3A_171, %dma_wait3A_536] : memref<1000000x16xf32, #tpu.memory_space<hbm>> -> memref<1x16xf32, #tpu.memory_space<hbm>>
      tpu.wait_dma2 semaphore(%arg7 : memref<!tpu.dma_semaphore, #tpu.memory_space<semaphore_mem>>) src(%dma_wait3A_537 : memref<1x16xf32, #tpu.memory_space<hbm>>) dst(%dma_wait3A_535 : memref<1x16xf32, #tpu.memory_space<vmem>>)
      %dma_wait3A_538 = arith.constant 15 : i32
      %dma_wait3A_539 = arith.constant 0 : i32
      %dma_wait3A_540 = tpu.memref_slice %arg6[%dma_wait3A_538, %dma_wait3A_539] : memref<32x16xf32, #tpu.memory_space<vmem>> -> memref<1x16xf32, #tpu.memory_space<vmem>>
      %dma_wait3A_541 = arith.constant 0 : i32
      %dma_wait3A_542 = tpu.memref_slice %arg3[%squeeze3A_183, %dma_wait3A_541] : memref<1000000x16xf32, #tpu.memory_space<hbm>> -> memref<1x16xf32, #tpu.memory_space<hbm>>
      %dma_wait3A_543 = arith.constant 15 : i32
      %dma_wait3A_544 = arith.constant 0 : i32
      %dma_wait3A_545 = tpu.memref_slice %arg6[%dma_wait3A_543, %dma_wait3A_544] : memref<32x16xf32, #tpu.memory_space<vmem>> -> memref<1x16xf32, #tpu.memory_space<vmem>>
      %dma_wait3A_546 = arith.constant 0 : i32
      %dma_wait3A_547 = tpu.memref_slice %arg3[%squeeze3A_183, %dma_wait3A_546] : memref<1000000x16xf32, #tpu.memory_space<hbm>> -> memref<1x16xf32, #tpu.memory_space<hbm>>
      tpu.wait_dma2 semaphore(%arg7 : memref<!tpu.dma_semaphore, #tpu.memory_space<semaphore_mem>>) src(%dma_wait3A_547 : memref<1x16xf32, #tpu.memory_space<hbm>>) dst(%dma_wait3A_545 : memref<1x16xf32, #tpu.memory_space<vmem>>)
      %dma_wait3A_548 = arith.constant 16 : i32
      %dma_wait3A_549 = arith.constant 0 : i32
      %dma_wait3A_550 = tpu.memref_slice %arg6[%dma_wait3A_548, %dma_wait3A_549] : memref<32x16xf32, #tpu.memory_space<vmem>> -> memref<1x16xf32, #tpu.memory_space<vmem>>
      %dma_wait3A_551 = arith.constant 0 : i32
      %dma_wait3A_552 = tpu.memref_slice %arg3[%squeeze3A_198, %dma_wait3A_551] : memref<1000000x16xf32, #tpu.memory_space<hbm>> -> memref<1x16xf32, #tpu.memory_space<hbm>>
      %dma_wait3A_553 = arith.constant 16 : i32
      %dma_wait3A_554 = arith.constant 0 : i32
      %dma_wait3A_555 = tpu.memref_slice %arg6[%dma_wait3A_553, %dma_wait3A_554] : memref<32x16xf32, #tpu.memory_space<vmem>> -> memref<1x16xf32, #tpu.memory_space<vmem>>
      %dma_wait3A_556 = arith.constant 0 : i32
      %dma_wait3A_557 = tpu.memref_slice %arg3[%squeeze3A_198, %dma_wait3A_556] : memref<1000000x16xf32, #tpu.memory_space<hbm>> -> memref<1x16xf32, #tpu.memory_space<hbm>>
      tpu.wait_dma2 semaphore(%arg7 : memref<!tpu.dma_semaphore, #tpu.memory_space<semaphore_mem>>) src(%dma_wait3A_557 : memref<1x16xf32, #tpu.memory_space<hbm>>) dst(%dma_wait3A_555 : memref<1x16xf32, #tpu.memory_space<vmem>>)
      %dma_wait3A_558 = arith.constant 17 : i32
      %dma_wait3A_559 = arith.constant 0 : i32
      %dma_wait3A_560 = tpu.memref_slice %arg6[%dma_wait3A_558, %dma_wait3A_559] : memref<32x16xf32, #tpu.memory_space<vmem>> -> memref<1x16xf32, #tpu.memory_space<vmem>>
      %dma_wait3A_561 = arith.constant 0 : i32
      %dma_wait3A_562 = tpu.memref_slice %arg3[%squeeze3A_210, %dma_wait3A_561] : memref<1000000x16xf32, #tpu.memory_space<hbm>> -> memref<1x16xf32, #tpu.memory_space<hbm>>
      %dma_wait3A_563 = arith.constant 17 : i32
      %dma_wait3A_564 = arith.constant 0 : i32
      %dma_wait3A_565 = tpu.memref_slice %arg6[%dma_wait3A_563, %dma_wait3A_564] : memref<32x16xf32, #tpu.memory_space<vmem>> -> memref<1x16xf32, #tpu.memory_space<vmem>>
      %dma_wait3A_566 = arith.constant 0 : i32
      %dma_wait3A_567 = tpu.memref_slice %arg3[%squeeze3A_210, %dma_wait3A_566] : memref<1000000x16xf32, #tpu.memory_space<hbm>> -> memref<1x16xf32, #tpu.memory_space<hbm>>
      tpu.wait_dma2 semaphore(%arg7 : memref<!tpu.dma_semaphore, #tpu.memory_space<semaphore_mem>>) src(%dma_wait3A_567 : memref<1x16xf32, #tpu.memory_space<hbm>>) dst(%dma_wait3A_565 : memref<1x16xf32, #tpu.memory_space<vmem>>)
      %dma_wait3A_568 = arith.constant 18 : i32
      %dma_wait3A_569 = arith.constant 0 : i32
      %dma_wait3A_570 = tpu.memref_slice %arg6[%dma_wait3A_568, %dma_wait3A_569] : memref<32x16xf32, #tpu.memory_space<vmem>> -> memref<1x16xf32, #tpu.memory_space<vmem>>
      %dma_wait3A_571 = arith.constant 0 : i32
      %dma_wait3A_572 = tpu.memref_slice %arg3[%squeeze3A_222, %dma_wait3A_571] : memref<1000000x16xf32, #tpu.memory_space<hbm>> -> memref<1x16xf32, #tpu.memory_space<hbm>>
      %dma_wait3A_573 = arith.constant 18 : i32
      %dma_wait3A_574 = arith.constant 0 : i32
      %dma_wait3A_575 = tpu.memref_slice %arg6[%dma_wait3A_573, %dma_wait3A_574] : memref<32x16xf32, #tpu.memory_space<vmem>> -> memref<1x16xf32, #tpu.memory_space<vmem>>
      %dma_wait3A_576 = arith.constant 0 : i32
      %dma_wait3A_577 = tpu.memref_slice %arg3[%squeeze3A_222, %dma_wait3A_576] : memref<1000000x16xf32, #tpu.memory_space<hbm>> -> memref<1x16xf32, #tpu.memory_space<hbm>>
      tpu.wait_dma2 semaphore(%arg7 : memref<!tpu.dma_semaphore, #tpu.memory_space<semaphore_mem>>) src(%dma_wait3A_577 : memref<1x16xf32, #tpu.memory_space<hbm>>) dst(%dma_wait3A_575 : memref<1x16xf32, #tpu.memory_space<vmem>>)
      %dma_wait3A_578 = arith.constant 19 : i32
      %dma_wait3A_579 = arith.constant 0 : i32
      %dma_wait3A_580 = tpu.memref_slice %arg6[%dma_wait3A_578, %dma_wait3A_579] : memref<32x16xf32, #tpu.memory_space<vmem>> -> memref<1x16xf32, #tpu.memory_space<vmem>>
      %dma_wait3A_581 = arith.constant 0 : i32
      %dma_wait3A_582 = tpu.memref_slice %arg3[%squeeze3A_234, %dma_wait3A_581] : memref<1000000x16xf32, #tpu.memory_space<hbm>> -> memref<1x16xf32, #tpu.memory_space<hbm>>
      %dma_wait3A_583 = arith.constant 19 : i32
      %dma_wait3A_584 = arith.constant 0 : i32
      %dma_wait3A_585 = tpu.memref_slice %arg6[%dma_wait3A_583, %dma_wait3A_584] : memref<32x16xf32, #tpu.memory_space<vmem>> -> memref<1x16xf32, #tpu.memory_space<vmem>>
      %dma_wait3A_586 = arith.constant 0 : i32
      %dma_wait3A_587 = tpu.memref_slice %arg3[%squeeze3A_234, %dma_wait3A_586] : memref<1000000x16xf32, #tpu.memory_space<hbm>> -> memref<1x16xf32, #tpu.memory_space<hbm>>
      tpu.wait_dma2 semaphore(%arg7 : memref<!tpu.dma_semaphore, #tpu.memory_space<semaphore_mem>>) src(%dma_wait3A_587 : memref<1x16xf32, #tpu.memory_space<hbm>>) dst(%dma_wait3A_585 : memref<1x16xf32, #tpu.memory_space<vmem>>)
      %dma_wait3A_588 = arith.constant 20 : i32
      %dma_wait3A_589 = arith.constant 0 : i32
      %dma_wait3A_590 = tpu.memref_slice %arg6[%dma_wait3A_588, %dma_wait3A_589] : memref<32x16xf32, #tpu.memory_space<vmem>> -> memref<1x16xf32, #tpu.memory_space<vmem>>
      %dma_wait3A_591 = arith.constant 0 : i32
      %dma_wait3A_592 = tpu.memref_slice %arg3[%squeeze3A_246, %dma_wait3A_591] : memref<1000000x16xf32, #tpu.memory_space<hbm>> -> memref<1x16xf32, #tpu.memory_space<hbm>>
      %dma_wait3A_593 = arith.constant 20 : i32
      %dma_wait3A_594 = arith.constant 0 : i32
      %dma_wait3A_595 = tpu.memref_slice %arg6[%dma_wait3A_593, %dma_wait3A_594] : memref<32x16xf32, #tpu.memory_space<vmem>> -> memref<1x16xf32, #tpu.memory_space<vmem>>
      %dma_wait3A_596 = arith.constant 0 : i32
      %dma_wait3A_597 = tpu.memref_slice %arg3[%squeeze3A_246, %dma_wait3A_596] : memref<1000000x16xf32, #tpu.memory_space<hbm>> -> memref<1x16xf32, #tpu.memory_space<hbm>>
      tpu.wait_dma2 semaphore(%arg7 : memref<!tpu.dma_semaphore, #tpu.memory_space<semaphore_mem>>) src(%dma_wait3A_597 : memref<1x16xf32, #tpu.memory_space<hbm>>) dst(%dma_wait3A_595 : memref<1x16xf32, #tpu.memory_space<vmem>>)
      %dma_wait3A_598 = arith.constant 21 : i32
      %dma_wait3A_599 = arith.constant 0 : i32
      %dma_wait3A_600 = tpu.memref_slice %arg6[%dma_wait3A_598, %dma_wait3A_599] : memref<32x16xf32, #tpu.memory_space<vmem>> -> memref<1x16xf32, #tpu.memory_space<vmem>>
      %dma_wait3A_601 = arith.constant 0 : i32
      %dma_wait3A_602 = tpu.memref_slice %arg3[%squeeze3A_258, %dma_wait3A_601] : memref<1000000x16xf32, #tpu.memory_space<hbm>> -> memref<1x16xf32, #tpu.memory_space<hbm>>
      %dma_wait3A_603 = arith.constant 21 : i32
      %dma_wait3A_604 = arith.constant 0 : i32
      %dma_wait3A_605 = tpu.memref_slice %arg6[%dma_wait3A_603, %dma_wait3A_604] : memref<32x16xf32, #tpu.memory_space<vmem>> -> memref<1x16xf32, #tpu.memory_space<vmem>>
      %dma_wait3A_606 = arith.constant 0 : i32
      %dma_wait3A_607 = tpu.memref_slice %arg3[%squeeze3A_258, %dma_wait3A_606] : memref<1000000x16xf32, #tpu.memory_space<hbm>> -> memref<1x16xf32, #tpu.memory_space<hbm>>
      tpu.wait_dma2 semaphore(%arg7 : memref<!tpu.dma_semaphore, #tpu.memory_space<semaphore_mem>>) src(%dma_wait3A_607 : memref<1x16xf32, #tpu.memory_space<hbm>>) dst(%dma_wait3A_605 : memref<1x16xf32, #tpu.memory_space<vmem>>)
      %dma_wait3A_608 = arith.constant 22 : i32
      %dma_wait3A_609 = arith.constant 0 : i32
      %dma_wait3A_610 = tpu.memref_slice %arg6[%dma_wait3A_608, %dma_wait3A_609] : memref<32x16xf32, #tpu.memory_space<vmem>> -> memref<1x16xf32, #tpu.memory_space<vmem>>
      %dma_wait3A_611 = arith.constant 0 : i32
      %dma_wait3A_612 = tpu.memref_slice %arg3[%squeeze3A_270, %dma_wait3A_611] : memref<1000000x16xf32, #tpu.memory_space<hbm>> -> memref<1x16xf32, #tpu.memory_space<hbm>>
      %dma_wait3A_613 = arith.constant 22 : i32
      %dma_wait3A_614 = arith.constant 0 : i32
      %dma_wait3A_615 = tpu.memref_slice %arg6[%dma_wait3A_613, %dma_wait3A_614] : memref<32x16xf32, #tpu.memory_space<vmem>> -> memref<1x16xf32, #tpu.memory_space<vmem>>
      %dma_wait3A_616 = arith.constant 0 : i32
      %dma_wait3A_617 = tpu.memref_slice %arg3[%squeeze3A_270, %dma_wait3A_616] : memref<1000000x16xf32, #tpu.memory_space<hbm>> -> memref<1x16xf32, #tpu.memory_space<hbm>>
      tpu.wait_dma2 semaphore(%arg7 : memref<!tpu.dma_semaphore, #tpu.memory_space<semaphore_mem>>) src(%dma_wait3A_617 : memref<1x16xf32, #tpu.memory_space<hbm>>) dst(%dma_wait3A_615 : memref<1x16xf32, #tpu.memory_space<vmem>>)
      %dma_wait3A_618 = arith.constant 23 : i32
      %dma_wait3A_619 = arith.constant 0 : i32
      %dma_wait3A_620 = tpu.memref_slice %arg6[%dma_wait3A_618, %dma_wait3A_619] : memref<32x16xf32, #tpu.memory_space<vmem>> -> memref<1x16xf32, #tpu.memory_space<vmem>>
      %dma_wait3A_621 = arith.constant 0 : i32
      %dma_wait3A_622 = tpu.memref_slice %arg3[%squeeze3A_282, %dma_wait3A_621] : memref<1000000x16xf32, #tpu.memory_space<hbm>> -> memref<1x16xf32, #tpu.memory_space<hbm>>
      %dma_wait3A_623 = arith.constant 23 : i32
      %dma_wait3A_624 = arith.constant 0 : i32
      %dma_wait3A_625 = tpu.memref_slice %arg6[%dma_wait3A_623, %dma_wait3A_624] : memref<32x16xf32, #tpu.memory_space<vmem>> -> memref<1x16xf32, #tpu.memory_space<vmem>>
      %dma_wait3A_626 = arith.constant 0 : i32
      %dma_wait3A_627 = tpu.memref_slice %arg3[%squeeze3A_282, %dma_wait3A_626] : memref<1000000x16xf32, #tpu.memory_space<hbm>> -> memref<1x16xf32, #tpu.memory_space<hbm>>
      tpu.wait_dma2 semaphore(%arg7 : memref<!tpu.dma_semaphore, #tpu.memory_space<semaphore_mem>>) src(%dma_wait3A_627 : memref<1x16xf32, #tpu.memory_space<hbm>>) dst(%dma_wait3A_625 : memref<1x16xf32, #tpu.memory_space<vmem>>)
      %dma_wait3A_628 = arith.constant 24 : i32
      %dma_wait3A_629 = arith.constant 0 : i32
      %dma_wait3A_630 = tpu.memref_slice %arg6[%dma_wait3A_628, %dma_wait3A_629] : memref<32x16xf32, #tpu.memory_space<vmem>> -> memref<1x16xf32, #tpu.memory_space<vmem>>
      %dma_wait3A_631 = arith.constant 0 : i32
      %dma_wait3A_632 = tpu.memref_slice %arg3[%squeeze3A_294, %dma_wait3A_631] : memref<1000000x16xf32, #tpu.memory_space<hbm>> -> memref<1x16xf32, #tpu.memory_space<hbm>>
      %dma_wait3A_633 = arith.constant 24 : i32
      %dma_wait3A_634 = arith.constant 0 : i32
      %dma_wait3A_635 = tpu.memref_slice %arg6[%dma_wait3A_633, %dma_wait3A_634] : memref<32x16xf32, #tpu.memory_space<vmem>> -> memref<1x16xf32, #tpu.memory_space<vmem>>
      %dma_wait3A_636 = arith.constant 0 : i32
      %dma_wait3A_637 = tpu.memref_slice %arg3[%squeeze3A_294, %dma_wait3A_636] : memref<1000000x16xf32, #tpu.memory_space<hbm>> -> memref<1x16xf32, #tpu.memory_space<hbm>>
      tpu.wait_dma2 semaphore(%arg7 : memref<!tpu.dma_semaphore, #tpu.memory_space<semaphore_mem>>) src(%dma_wait3A_637 : memref<1x16xf32, #tpu.memory_space<hbm>>) dst(%dma_wait3A_635 : memref<1x16xf32, #tpu.memory_space<vmem>>)
      %dma_wait3A_638 = arith.constant 25 : i32
      %dma_wait3A_639 = arith.constant 0 : i32
      %dma_wait3A_640 = tpu.memref_slice %arg6[%dma_wait3A_638, %dma_wait3A_639] : memref<32x16xf32, #tpu.memory_space<vmem>> -> memref<1x16xf32, #tpu.memory_space<vmem>>
      %dma_wait3A_641 = arith.constant 0 : i32
      %dma_wait3A_642 = tpu.memref_slice %arg3[%squeeze3A_306, %dma_wait3A_641] : memref<1000000x16xf32, #tpu.memory_space<hbm>> -> memref<1x16xf32, #tpu.memory_space<hbm>>
      %dma_wait3A_643 = arith.constant 25 : i32
      %dma_wait3A_644 = arith.constant 0 : i32
      %dma_wait3A_645 = tpu.memref_slice %arg6[%dma_wait3A_643, %dma_wait3A_644] : memref<32x16xf32, #tpu.memory_space<vmem>> -> memref<1x16xf32, #tpu.memory_space<vmem>>
      %dma_wait3A_646 = arith.constant 0 : i32
      %dma_wait3A_647 = tpu.memref_slice %arg3[%squeeze3A_306, %dma_wait3A_646] : memref<1000000x16xf32, #tpu.memory_space<hbm>> -> memref<1x16xf32, #tpu.memory_space<hbm>>
      tpu.wait_dma2 semaphore(%arg7 : memref<!tpu.dma_semaphore, #tpu.memory_space<semaphore_mem>>) src(%dma_wait3A_647 : memref<1x16xf32, #tpu.memory_space<hbm>>) dst(%dma_wait3A_645 : memref<1x16xf32, #tpu.memory_space<vmem>>)
      %dma_wait3A_648 = arith.constant 26 : i32
      %dma_wait3A_649 = arith.constant 0 : i32
      %dma_wait3A_650 = tpu.memref_slice %arg6[%dma_wait3A_648, %dma_wait3A_649] : memref<32x16xf32, #tpu.memory_space<vmem>> -> memref<1x16xf32, #tpu.memory_space<vmem>>
      %dma_wait3A_651 = arith.constant 0 : i32
      %dma_wait3A_652 = tpu.memref_slice %arg3[%squeeze3A_318, %dma_wait3A_651] : memref<1000000x16xf32, #tpu.memory_space<hbm>> -> memref<1x16xf32, #tpu.memory_space<hbm>>
      %dma_wait3A_653 = arith.constant 26 : i32
      %dma_wait3A_654 = arith.constant 0 : i32
      %dma_wait3A_655 = tpu.memref_slice %arg6[%dma_wait3A_653, %dma_wait3A_654] : memref<32x16xf32, #tpu.memory_space<vmem>> -> memref<1x16xf32, #tpu.memory_space<vmem>>
      %dma_wait3A_656 = arith.constant 0 : i32
      %dma_wait3A_657 = tpu.memref_slice %arg3[%squeeze3A_318, %dma_wait3A_656] : memref<1000000x16xf32, #tpu.memory_space<hbm>> -> memref<1x16xf32, #tpu.memory_space<hbm>>
      tpu.wait_dma2 semaphore(%arg7 : memref<!tpu.dma_semaphore, #tpu.memory_space<semaphore_mem>>) src(%dma_wait3A_657 : memref<1x16xf32, #tpu.memory_space<hbm>>) dst(%dma_wait3A_655 : memref<1x16xf32, #tpu.memory_space<vmem>>)
      %dma_wait3A_658 = arith.constant 27 : i32
      %dma_wait3A_659 = arith.constant 0 : i32
      %dma_wait3A_660 = tpu.memref_slice %arg6[%dma_wait3A_658, %dma_wait3A_659] : memref<32x16xf32, #tpu.memory_space<vmem>> -> memref<1x16xf32, #tpu.memory_space<vmem>>
      %dma_wait3A_661 = arith.constant 0 : i32
      %dma_wait3A_662 = tpu.memref_slice %arg3[%squeeze3A_330, %dma_wait3A_661] : memref<1000000x16xf32, #tpu.memory_space<hbm>> -> memref<1x16xf32, #tpu.memory_space<hbm>>
      %dma_wait3A_663 = arith.constant 27 : i32
      %dma_wait3A_664 = arith.constant 0 : i32
      %dma_wait3A_665 = tpu.memref_slice %arg6[%dma_wait3A_663, %dma_wait3A_664] : memref<32x16xf32, #tpu.memory_space<vmem>> -> memref<1x16xf32, #tpu.memory_space<vmem>>
      %dma_wait3A_666 = arith.constant 0 : i32
      %dma_wait3A_667 = tpu.memref_slice %arg3[%squeeze3A_330, %dma_wait3A_666] : memref<1000000x16xf32, #tpu.memory_space<hbm>> -> memref<1x16xf32, #tpu.memory_space<hbm>>
      tpu.wait_dma2 semaphore(%arg7 : memref<!tpu.dma_semaphore, #tpu.memory_space<semaphore_mem>>) src(%dma_wait3A_667 : memref<1x16xf32, #tpu.memory_space<hbm>>) dst(%dma_wait3A_665 : memref<1x16xf32, #tpu.memory_space<vmem>>)
      %dma_wait3A_668 = arith.constant 28 : i32
      %dma_wait3A_669 = arith.constant 0 : i32
      %dma_wait3A_670 = tpu.memref_slice %arg6[%dma_wait3A_668, %dma_wait3A_669] : memref<32x16xf32, #tpu.memory_space<vmem>> -> memref<1x16xf32, #tpu.memory_space<vmem>>
      %dma_wait3A_671 = arith.constant 0 : i32
      %dma_wait3A_672 = tpu.memref_slice %arg3[%squeeze3A_342, %dma_wait3A_671] : memref<1000000x16xf32, #tpu.memory_space<hbm>> -> memref<1x16xf32, #tpu.memory_space<hbm>>
      %dma_wait3A_673 = arith.constant 28 : i32
      %dma_wait3A_674 = arith.constant 0 : i32
      %dma_wait3A_675 = tpu.memref_slice %arg6[%dma_wait3A_673, %dma_wait3A_674] : memref<32x16xf32, #tpu.memory_space<vmem>> -> memref<1x16xf32, #tpu.memory_space<vmem>>
      %dma_wait3A_676 = arith.constant 0 : i32
      %dma_wait3A_677 = tpu.memref_slice %arg3[%squeeze3A_342, %dma_wait3A_676] : memref<1000000x16xf32, #tpu.memory_space<hbm>> -> memref<1x16xf32, #tpu.memory_space<hbm>>
      tpu.wait_dma2 semaphore(%arg7 : memref<!tpu.dma_semaphore, #tpu.memory_space<semaphore_mem>>) src(%dma_wait3A_677 : memref<1x16xf32, #tpu.memory_space<hbm>>) dst(%dma_wait3A_675 : memref<1x16xf32, #tpu.memory_space<vmem>>)
      %dma_wait3A_678 = arith.constant 29 : i32
      %dma_wait3A_679 = arith.constant 0 : i32
      %dma_wait3A_680 = tpu.memref_slice %arg6[%dma_wait3A_678, %dma_wait3A_679] : memref<32x16xf32, #tpu.memory_space<vmem>> -> memref<1x16xf32, #tpu.memory_space<vmem>>
      %dma_wait3A_681 = arith.constant 0 : i32
      %dma_wait3A_682 = tpu.memref_slice %arg3[%squeeze3A_354, %dma_wait3A_681] : memref<1000000x16xf32, #tpu.memory_space<hbm>> -> memref<1x16xf32, #tpu.memory_space<hbm>>
      %dma_wait3A_683 = arith.constant 29 : i32
      %dma_wait3A_684 = arith.constant 0 : i32
      %dma_wait3A_685 = tpu.memref_slice %arg6[%dma_wait3A_683, %dma_wait3A_684] : memref<32x16xf32, #tpu.memory_space<vmem>> -> memref<1x16xf32, #tpu.memory_space<vmem>>
      %dma_wait3A_686 = arith.constant 0 : i32
      %dma_wait3A_687 = tpu.memref_slice %arg3[%squeeze3A_354, %dma_wait3A_686] : memref<1000000x16xf32, #tpu.memory_space<hbm>> -> memref<1x16xf32, #tpu.memory_space<hbm>>
      tpu.wait_dma2 semaphore(%arg7 : memref<!tpu.dma_semaphore, #tpu.memory_space<semaphore_mem>>) src(%dma_wait3A_687 : memref<1x16xf32, #tpu.memory_space<hbm>>) dst(%dma_wait3A_685 : memref<1x16xf32, #tpu.memory_space<vmem>>)
      %dma_wait3A_688 = arith.constant 30 : i32
      %dma_wait3A_689 = arith.constant 0 : i32
      %dma_wait3A_690 = tpu.memref_slice %arg6[%dma_wait3A_688, %dma_wait3A_689] : memref<32x16xf32, #tpu.memory_space<vmem>> -> memref<1x16xf32, #tpu.memory_space<vmem>>
      %dma_wait3A_691 = arith.constant 0 : i32
      %dma_wait3A_692 = tpu.memref_slice %arg3[%squeeze3A_366, %dma_wait3A_691] : memref<1000000x16xf32, #tpu.memory_space<hbm>> -> memref<1x16xf32, #tpu.memory_space<hbm>>
      %dma_wait3A_693 = arith.constant 30 : i32
      %dma_wait3A_694 = arith.constant 0 : i32
      %dma_wait3A_695 = tpu.memref_slice %arg6[%dma_wait3A_693, %dma_wait3A_694] : memref<32x16xf32, #tpu.memory_space<vmem>> -> memref<1x16xf32, #tpu.memory_space<vmem>>
      %dma_wait3A_696 = arith.constant 0 : i32
      %dma_wait3A_697 = tpu.memref_slice %arg3[%squeeze3A_366, %dma_wait3A_696] : memref<1000000x16xf32, #tpu.memory_space<hbm>> -> memref<1x16xf32, #tpu.memory_space<hbm>>
      tpu.wait_dma2 semaphore(%arg7 : memref<!tpu.dma_semaphore, #tpu.memory_space<semaphore_mem>>) src(%dma_wait3A_697 : memref<1x16xf32, #tpu.memory_space<hbm>>) dst(%dma_wait3A_695 : memref<1x16xf32, #tpu.memory_space<vmem>>)
      %dma_wait3A_698 = arith.constant 31 : i32
      %dma_wait3A_699 = arith.constant 0 : i32
      %dma_wait3A_700 = tpu.memref_slice %arg6[%dma_wait3A_698, %dma_wait3A_699] : memref<32x16xf32, #tpu.memory_space<vmem>> -> memref<1x16xf32, #tpu.memory_space<vmem>>
      %dma_wait3A_701 = arith.constant 0 : i32
      %dma_wait3A_702 = tpu.memref_slice %arg3[%squeeze3A_378, %dma_wait3A_701] : memref<1000000x16xf32, #tpu.memory_space<hbm>> -> memref<1x16xf32, #tpu.memory_space<hbm>>
      %dma_wait3A_703 = arith.constant 31 : i32
      %dma_wait3A_704 = arith.constant 0 : i32
      %dma_wait3A_705 = tpu.memref_slice %arg6[%dma_wait3A_703, %dma_wait3A_704] : memref<32x16xf32, #tpu.memory_space<vmem>> -> memref<1x16xf32, #tpu.memory_space<vmem>>
      %dma_wait3A_706 = arith.constant 0 : i32
      %dma_wait3A_707 = tpu.memref_slice %arg3[%squeeze3A_378, %dma_wait3A_706] : memref<1000000x16xf32, #tpu.memory_space<hbm>> -> memref<1x16xf32, #tpu.memory_space<hbm>>
      tpu.wait_dma2 semaphore(%arg7 : memref<!tpu.dma_semaphore, #tpu.memory_space<semaphore_mem>>) src(%dma_wait3A_707 : memref<1x16xf32, #tpu.memory_space<hbm>>) dst(%dma_wait3A_705 : memref<1x16xf32, #tpu.memory_space<vmem>>)
      "tpu.region"() ({
        %run_scoped3A = tpu.sem_alloc : memref<!tpu.dma_semaphore, #tpu.memory_space<semaphore_mem>>
        tpu.enqueue_dma source(%arg6 : memref<32x16xf32, #tpu.memory_space<vmem>>) target(%arg4 : memref<32x16xf32, #tpu.memory_space<hbm>>) target_semaphore(%run_scoped3A : memref<!tpu.dma_semaphore, #tpu.memory_space<semaphore_mem>>)
        tpu.wait_dma2 semaphore(%run_scoped3A : memref<!tpu.dma_semaphore, #tpu.memory_space<semaphore_mem>>) src(%arg6 : memref<32x16xf32, #tpu.memory_space<vmem>>) dst(%arg4 : memref<32x16xf32, #tpu.memory_space<hbm>>)
        tpu.yield
      }) : () -> ()
    } else {
    }
    return
  }
}

module attributes {stable_mosaic.version = 14 : i64} {
  func.func @_scan_body(%arg0: i32, %arg1: memref<1000000x16xf32, #tpu.memory_space<any>>, %arg2: memref<32x16xf32, #tpu.memory_space<vmem>>, %arg3: memref<32x1xf32, #tpu.memory_space<vmem>>, %arg4: memref<32x1xi32, #tpu.memory_space<vmem>>, %arg5: memref<4x12500x16xf32, #tpu.memory_space<vmem>>, %arg6: memref<4x!tpu.dma_semaphore, #tpu.memory_space<semaphore_mem>>) attributes {dimension_semantics = [#tpu.dimension_semantics<arbitrary>], iteration_bounds = array<i64: 80>, scalar_prefetch = 0 : i64, scratch_operands = 2 : i64, tpu.core_type = #tpu.core_type<tc>, window_params = [{}, {pipeline_mode = #tpu.pipeline_mode<synchronous>, transform_indices = @transform_1, window_bounds = array<i64: 32, 16>}, {pipeline_mode = #tpu.pipeline_mode<synchronous>, transform_indices = @transform_2, window_bounds = array<i64: 32, 1>}, {pipeline_mode = #tpu.pipeline_mode<synchronous>, transform_indices = @transform_3, window_bounds = array<i64: 32, 1>}]} {
    %eq3A = arith.constant 0 : i32
    %eq3A_0 = arith.cmpi eq, %arg0, %eq3A : i32
    %convert_element_type3A = arith.extui %eq3A_0 : i1 to i32
    %cond3A = arith.constant 0 : i32
    %cond3A_1 = arith.cmpi ne, %convert_element_type3A, %cond3A : i32
    scf.if %cond3A_1 {
      %dma_start3A = arith.constant 0 : i32
      %dma_start3A_80 = arith.constant 0 : i32
      %dma_start3A_81 = tpu.memref_slice %arg6[%dma_start3A_80] : memref<4x!tpu.dma_semaphore, #tpu.memory_space<semaphore_mem>> -> memref<1x!tpu.dma_semaphore, #tpu.memory_space<semaphore_mem>>
      %dma_start3A_82 = tpu.memref_squeeze %dma_start3A_81 : memref<1x!tpu.dma_semaphore, #tpu.memory_space<semaphore_mem>> -> memref<!tpu.dma_semaphore, #tpu.memory_space<semaphore_mem>>
      %dma_start3A_83 = arith.constant 0 : i32
      %dma_start3A_84 = arith.constant 0 : i32
      %dma_start3A_85 = tpu.memref_slice %arg5[%dma_start3A, %dma_start3A_83, %dma_start3A_84] : memref<4x12500x16xf32, #tpu.memory_space<vmem>> -> memref<1x12500x16xf32, #tpu.memory_space<vmem>>
      %dma_start3A_86 = tpu.memref_squeeze %dma_start3A_85 : memref<1x12500x16xf32, #tpu.memory_space<vmem>> -> memref<12500x16xf32, #tpu.memory_space<vmem>>
      %dma_start3A_87 = arith.constant 0 : i32
      %dma_start3A_88 = arith.constant 0 : i32
      %dma_start3A_89 = tpu.memref_slice %arg1[%dma_start3A_87, %dma_start3A_88] : memref<1000000x16xf32, #tpu.memory_space<any>> -> memref<12500x16xf32, #tpu.memory_space<any>>
      tpu.enqueue_dma source(%dma_start3A_89 : memref<12500x16xf32, #tpu.memory_space<any>>) target(%dma_start3A_86 : memref<12500x16xf32, #tpu.memory_space<vmem>>) target_semaphore(%dma_start3A_82 : memref<!tpu.dma_semaphore, #tpu.memory_space<semaphore_mem>>)
      %dma_start3A_90 = arith.constant 1 : i32
      %dma_start3A_91 = arith.constant 1 : i32
      %dma_start3A_92 = tpu.memref_slice %arg6[%dma_start3A_91] : memref<4x!tpu.dma_semaphore, #tpu.memory_space<semaphore_mem>> -> memref<1x!tpu.dma_semaphore, #tpu.memory_space<semaphore_mem>>
      %dma_start3A_93 = tpu.memref_squeeze %dma_start3A_92 : memref<1x!tpu.dma_semaphore, #tpu.memory_space<semaphore_mem>> -> memref<!tpu.dma_semaphore, #tpu.memory_space<semaphore_mem>>
      %dma_start3A_94 = arith.constant 0 : i32
      %dma_start3A_95 = arith.constant 0 : i32
      %dma_start3A_96 = tpu.memref_slice %arg5[%dma_start3A_90, %dma_start3A_94, %dma_start3A_95] : memref<4x12500x16xf32, #tpu.memory_space<vmem>> -> memref<1x12500x16xf32, #tpu.memory_space<vmem>>
      %dma_start3A_97 = tpu.memref_squeeze %dma_start3A_96 : memref<1x12500x16xf32, #tpu.memory_space<vmem>> -> memref<12500x16xf32, #tpu.memory_space<vmem>>
      %dma_start3A_98 = arith.constant 12500 : i32
      %dma_start3A_99 = arith.constant 0 : i32
      %dma_start3A_100 = tpu.memref_slice %arg1[%dma_start3A_98, %dma_start3A_99] : memref<1000000x16xf32, #tpu.memory_space<any>> -> memref<12500x16xf32, #tpu.memory_space<any>>
      tpu.enqueue_dma source(%dma_start3A_100 : memref<12500x16xf32, #tpu.memory_space<any>>) target(%dma_start3A_97 : memref<12500x16xf32, #tpu.memory_space<vmem>>) target_semaphore(%dma_start3A_93 : memref<!tpu.dma_semaphore, #tpu.memory_space<semaphore_mem>>)
      %dma_start3A_101 = arith.constant 2 : i32
      %dma_start3A_102 = arith.constant 2 : i32
      %dma_start3A_103 = tpu.memref_slice %arg6[%dma_start3A_102] : memref<4x!tpu.dma_semaphore, #tpu.memory_space<semaphore_mem>> -> memref<1x!tpu.dma_semaphore, #tpu.memory_space<semaphore_mem>>
      %dma_start3A_104 = tpu.memref_squeeze %dma_start3A_103 : memref<1x!tpu.dma_semaphore, #tpu.memory_space<semaphore_mem>> -> memref<!tpu.dma_semaphore, #tpu.memory_space<semaphore_mem>>
      %dma_start3A_105 = arith.constant 0 : i32
      %dma_start3A_106 = arith.constant 0 : i32
      %dma_start3A_107 = tpu.memref_slice %arg5[%dma_start3A_101, %dma_start3A_105, %dma_start3A_106] : memref<4x12500x16xf32, #tpu.memory_space<vmem>> -> memref<1x12500x16xf32, #tpu.memory_space<vmem>>
      %dma_start3A_108 = tpu.memref_squeeze %dma_start3A_107 : memref<1x12500x16xf32, #tpu.memory_space<vmem>> -> memref<12500x16xf32, #tpu.memory_space<vmem>>
      %dma_start3A_109 = arith.constant 25000 : i32
      %dma_start3A_110 = arith.constant 0 : i32
      %dma_start3A_111 = tpu.memref_slice %arg1[%dma_start3A_109, %dma_start3A_110] : memref<1000000x16xf32, #tpu.memory_space<any>> -> memref<12500x16xf32, #tpu.memory_space<any>>
      tpu.enqueue_dma source(%dma_start3A_111 : memref<12500x16xf32, #tpu.memory_space<any>>) target(%dma_start3A_108 : memref<12500x16xf32, #tpu.memory_space<vmem>>) target_semaphore(%dma_start3A_104 : memref<!tpu.dma_semaphore, #tpu.memory_space<semaphore_mem>>)
      %dma_start3A_112 = arith.constant 3 : i32
      %dma_start3A_113 = arith.constant 3 : i32
      %dma_start3A_114 = tpu.memref_slice %arg6[%dma_start3A_113] : memref<4x!tpu.dma_semaphore, #tpu.memory_space<semaphore_mem>> -> memref<1x!tpu.dma_semaphore, #tpu.memory_space<semaphore_mem>>
      %dma_start3A_115 = tpu.memref_squeeze %dma_start3A_114 : memref<1x!tpu.dma_semaphore, #tpu.memory_space<semaphore_mem>> -> memref<!tpu.dma_semaphore, #tpu.memory_space<semaphore_mem>>
      %dma_start3A_116 = arith.constant 0 : i32
      %dma_start3A_117 = arith.constant 0 : i32
      %dma_start3A_118 = tpu.memref_slice %arg5[%dma_start3A_112, %dma_start3A_116, %dma_start3A_117] : memref<4x12500x16xf32, #tpu.memory_space<vmem>> -> memref<1x12500x16xf32, #tpu.memory_space<vmem>>
      %dma_start3A_119 = tpu.memref_squeeze %dma_start3A_118 : memref<1x12500x16xf32, #tpu.memory_space<vmem>> -> memref<12500x16xf32, #tpu.memory_space<vmem>>
      %dma_start3A_120 = arith.constant 37500 : i32
      %dma_start3A_121 = arith.constant 0 : i32
      %dma_start3A_122 = tpu.memref_slice %arg1[%dma_start3A_120, %dma_start3A_121] : memref<1000000x16xf32, #tpu.memory_space<any>> -> memref<12500x16xf32, #tpu.memory_space<any>>
      tpu.enqueue_dma source(%dma_start3A_122 : memref<12500x16xf32, #tpu.memory_space<any>>) target(%dma_start3A_119 : memref<12500x16xf32, #tpu.memory_space<vmem>>) target_semaphore(%dma_start3A_115 : memref<!tpu.dma_semaphore, #tpu.memory_space<semaphore_mem>>)
    } else {
    }
    %jit3A = arith.constant 4 : i32
    %eq3A_2 = arith.constant 0 : i32
    %eq3A_3 = arith.cmpi eq, %jit3A, %eq3A_2 : i32
    %jit3A_4 = arith.constant 1 : i32
    %select_n3A = arith.select %eq3A_3, %jit3A_4, %jit3A : i32
    %rem3A = arith.remsi %arg0, %select_n3A : i32
    %ne3A = arith.constant 0 : i32
    %ne3A_5 = arith.cmpi ne, %rem3A, %ne3A : i32
    %lt3A = arith.constant 0 : i32
    %lt3A_6 = arith.cmpi slt, %rem3A, %lt3A : i32
    %lt3A_7 = arith.constant 0 : i32
    %lt3A_8 = arith.cmpi slt, %select_n3A, %lt3A_7 : i32
    %ne3A_9 = arith.xori %lt3A_6, %lt3A_8 : i1
    %and3A = arith.andi %ne3A_9, %ne3A_5 : i1
    %add3A = arith.addi %rem3A, %select_n3A : i32
    %select_n3A_10 = arith.select %and3A, %add3A, %rem3A : i32
    %mul3A = arith.constant 12500 : i32
    %mul3A_11 = arith.muli %arg0, %mul3A : i32
    %dma_wait3A = tpu.memref_slice %arg6[%select_n3A_10] : memref<4x!tpu.dma_semaphore, #tpu.memory_space<semaphore_mem>> -> memref<1x!tpu.dma_semaphore, #tpu.memory_space<semaphore_mem>>
    %dma_wait3A_12 = tpu.memref_squeeze %dma_wait3A : memref<1x!tpu.dma_semaphore, #tpu.memory_space<semaphore_mem>> -> memref<!tpu.dma_semaphore, #tpu.memory_space<semaphore_mem>>
    %dma_wait3A_13 = arith.constant 0 : i32
    %dma_wait3A_14 = arith.constant 0 : i32
    %dma_wait3A_15 = tpu.memref_slice %arg5[%select_n3A_10, %dma_wait3A_13, %dma_wait3A_14] : memref<4x12500x16xf32, #tpu.memory_space<vmem>> -> memref<1x12500x16xf32, #tpu.memory_space<vmem>>
    %dma_wait3A_16 = tpu.memref_squeeze %dma_wait3A_15 : memref<1x12500x16xf32, #tpu.memory_space<vmem>> -> memref<12500x16xf32, #tpu.memory_space<vmem>>
    %dma_wait3A_17 = arith.constant 0 : i32
    %dma_wait3A_18 = tpu.memref_slice %arg1[%mul3A_11, %dma_wait3A_17] : memref<1000000x16xf32, #tpu.memory_space<any>> -> memref<12500x16xf32, #tpu.memory_space<any>>
    tpu.wait_dma2 semaphore(%dma_wait3A_12 : memref<!tpu.dma_semaphore, #tpu.memory_space<semaphore_mem>>) src(%dma_wait3A_18 : memref<12500x16xf32, #tpu.memory_space<any>>) dst(%dma_wait3A_16 : memref<12500x16xf32, #tpu.memory_space<vmem>>)
    %get3A = arith.index_cast %select_n3A_10 : i32 to index
    %get3A_19 = arith.constant 0 : index
    %get3A_20 = arith.constant 0 : index
    %get3A_21 = vector.load %arg5[%get3A, %get3A_19, %get3A_20] : memref<4x12500x16xf32, #tpu.memory_space<vmem>>, vector<1x12500x16xf32>
    %get3A_22 = vector.shape_cast %get3A_21 : vector<1x12500x16xf32> to vector<12500x16xf32>
    %get3A_23 = arith.constant 0 : index
    %get3A_24 = arith.constant 0 : index
    %get3A_25 = vector.load %arg2[%get3A_23, %get3A_24] : memref<32x16xf32, #tpu.memory_space<vmem>>, vector<32x16xf32>
    %dot_general3A = arith.constant dense<0.000000e+00> : vector<32x12500xf32>
    %dot_general3A_26 = tpu.matmul %get3A_25, %get3A_22, %dot_general3A {dimension_numbers = #tpu.dot_dimension_numbers<[1], [1], [0], [0], [0, 0, 1, 0], [], []>, transpose_lhs_hint = false} : vector<32x16xf32>, vector<12500x16xf32>, vector<32x12500xf32> -> vector<32x12500xf32>
    %broadcast_in_dim3A = arith.constant 1.000000e+00 : f32
    %broadcast_in_dim3A_27 = vector.broadcast %broadcast_in_dim3A : f32 to vector<1x16xf32>
    %mul3A_28 = arith.mulf %get3A_22, %get3A_22 : vector<12500x16xf32>
    %dot_general3A_29 = arith.constant dense<0.000000e+00> : vector<1x12500xf32>
    %dot_general3A_30 = tpu.matmul %broadcast_in_dim3A_27, %mul3A_28, %dot_general3A_29 {dimension_numbers = #tpu.dot_dimension_numbers<[1], [1], [0], [0], [0, 0, 1, 0], [], []>, transpose_lhs_hint = false} : vector<1x16xf32>, vector<12500x16xf32>, vector<1x12500xf32> -> vector<1x12500xf32>
    %mul3A_31 = arith.constant 2.000000e+00 : f32
    %mul3A_32 = vector.broadcast %mul3A_31 : f32 to vector<32x12500xf32>
    %mul3A_33 = arith.mulf %mul3A_32, %dot_general3A_26 : vector<32x12500xf32>
    %sub3A = vector.broadcast %dot_general3A_30 : vector<1x12500xf32> to vector<32x12500xf32>
    %sub3A_34 = arith.subf %sub3A, %mul3A_33 : vector<32x12500xf32>
    %reduce_min3A = arith.constant dense<0x7F800000> : vector<32xf32>
    %reduce_min3A_35 = vector.multi_reduction <minimumf>, %sub3A_34, %reduce_min3A [1] : vector<32x12500xf32> to vector<32xf32>
    %broadcast_in_dim3A_36 = vector.shape_cast %reduce_min3A_35 : vector<32xf32> to vector<32x1xf32>
    %iota3A = tpu.iota {dimensions = array<i32: 1>} : vector<32x12500xi32>
    %eq3A_37 = vector.broadcast %broadcast_in_dim3A_36 : vector<32x1xf32> to vector<32x12500xf32>
    %eq3A_38 = arith.cmpf oeq, %sub3A_34, %eq3A_37 : vector<32x12500xf32>
    %jit3A_39 = arith.constant 1000000 : i32
    %broadcast_in_dim3A_40 = vector.broadcast %jit3A_39 : i32 to vector<32x12500xi32>
    %select_n3A_41 = arith.select %eq3A_38, %iota3A, %broadcast_in_dim3A_40 : vector<32x12500xi1>, vector<32x12500xi32>
    %reduce_min3A_42 = arith.constant dense<2147483647> : vector<32xi32>
    %reduce_min3A_43 = vector.multi_reduction <minsi>, %select_n3A_41, %reduce_min3A_42 [1] : vector<32x12500xi32> to vector<32xi32>
    %broadcast_in_dim3A_44 = vector.shape_cast %reduce_min3A_43 : vector<32xi32> to vector<32x1xi32>
    %mul3A_45 = arith.constant 12500 : i32
    %mul3A_46 = arith.muli %arg0, %mul3A_45 : i32
    %add3A_47 = vector.broadcast %mul3A_46 : i32 to vector<32x1xi32>
    %add3A_48 = arith.addi %broadcast_in_dim3A_44, %add3A_47 : vector<32x1xi32>
    %eq3A_49 = arith.constant 0 : i32
    %eq3A_50 = arith.cmpi eq, %arg0, %eq3A_49 : i32
    %get3A_51 = arith.constant 0 : index
    %get3A_52 = arith.constant 0 : index
    %get3A_53 = vector.load %arg3[%get3A_51, %get3A_52] : memref<32x1xf32, #tpu.memory_space<vmem>>, vector<32x1xf32>
    %jit3A_54 = arith.constant 0x7F800000 : f32
    %broadcast_in_dim3A_55 = vector.broadcast %jit3A_54 : f32 to vector<32x1xf32>
    %select_n3A_56 = arith.select %eq3A_50, %broadcast_in_dim3A_55, %get3A_53 : vector<32x1xf32>
    %eq3A_57 = arith.constant 0 : i32
    %eq3A_58 = arith.cmpi eq, %arg0, %eq3A_57 : i32
    %get3A_59 = arith.constant 0 : index
    %get3A_60 = arith.constant 0 : index
    %get3A_61 = vector.load %arg4[%get3A_59, %get3A_60] : memref<32x1xi32, #tpu.memory_space<vmem>>, vector<32x1xi32>
    %jit3A_62 = arith.constant 0 : i32
    %broadcast_in_dim3A_63 = vector.broadcast %jit3A_62 : i32 to vector<32x1xi32>
    %select_n3A_64 = arith.select %eq3A_58, %broadcast_in_dim3A_63, %get3A_61 : vector<32x1xi32>
    %lt3A_65 = arith.cmpf olt, %broadcast_in_dim3A_36, %select_n3A_56 : vector<32x1xf32>
    %select_n3A_66 = arith.select %lt3A_65, %broadcast_in_dim3A_36, %select_n3A_56 : vector<32x1xi1>, vector<32x1xf32>
    %swap3A = arith.constant 0 : index
    %swap3A_67 = arith.constant 0 : index
    %swap3A_68 = vector.load %arg3[%swap3A, %swap3A_67] : memref<32x1xf32, #tpu.memory_space<vmem>>, vector<32x1xf32>
    tpu.vector_store %arg3[%swap3A, %swap3A_67], %select_n3A_66 {strides = array<i32>} : memref<32x1xf32, #tpu.memory_space<vmem>>, vector<32x1xf32>,
    %select_n3A_69 = arith.select %lt3A_65, %add3A_48, %select_n3A_64 : vector<32x1xi1>, vector<32x1xi32>
    %swap3A_70 = arith.constant 0 : index
    %swap3A_71 = arith.constant 0 : index
    %swap3A_72 = vector.load %arg4[%swap3A_70, %swap3A_71] : memref<32x1xi32, #tpu.memory_space<vmem>>, vector<32x1xi32>
    tpu.vector_store %arg4[%swap3A_70, %swap3A_71], %select_n3A_69 {strides = array<i32>} : memref<32x1xi32, #tpu.memory_space<vmem>>, vector<32x1xi32>,
    %add3A_73 = arith.constant 4 : i32
    %add3A_74 = arith.addi %arg0, %add3A_73 : i32
    %lt3A_75 = arith.constant 80 : i32
    %lt3A_76 = arith.cmpi slt, %add3A_74, %lt3A_75 : i32
    %convert_element_type3A_77 = arith.extui %lt3A_76 : i1 to i32
    %cond3A_78 = arith.constant 0 : i32
    %cond3A_79 = arith.cmpi ne, %convert_element_type3A_77, %cond3A_78 : i32
    scf.if %cond3A_79 {
      %add3A_80 = arith.constant 4 : i32
      %add3A_81 = arith.addi %arg0, %add3A_80 : i32
      %mul3A_82 = arith.constant 12500 : i32
      %mul3A_83 = arith.muli %add3A_81, %mul3A_82 : i32
      %dma_start3A = tpu.memref_slice %arg6[%select_n3A_10] : memref<4x!tpu.dma_semaphore, #tpu.memory_space<semaphore_mem>> -> memref<1x!tpu.dma_semaphore, #tpu.memory_space<semaphore_mem>>
      %dma_start3A_84 = tpu.memref_squeeze %dma_start3A : memref<1x!tpu.dma_semaphore, #tpu.memory_space<semaphore_mem>> -> memref<!tpu.dma_semaphore, #tpu.memory_space<semaphore_mem>>
      %dma_start3A_85 = arith.constant 0 : i32
      %dma_start3A_86 = arith.constant 0 : i32
      %dma_start3A_87 = tpu.memref_slice %arg5[%select_n3A_10, %dma_start3A_85, %dma_start3A_86] : memref<4x12500x16xf32, #tpu.memory_space<vmem>> -> memref<1x12500x16xf32, #tpu.memory_space<vmem>>
      %dma_start3A_88 = tpu.memref_squeeze %dma_start3A_87 : memref<1x12500x16xf32, #tpu.memory_space<vmem>> -> memref<12500x16xf32, #tpu.memory_space<vmem>>
      %dma_start3A_89 = arith.constant 0 : i32
      %dma_start3A_90 = tpu.memref_slice %arg1[%mul3A_83, %dma_start3A_89] : memref<1000000x16xf32, #tpu.memory_space<any>> -> memref<12500x16xf32, #tpu.memory_space<any>>
      tpu.enqueue_dma source(%dma_start3A_90 : memref<12500x16xf32, #tpu.memory_space<any>>) target(%dma_start3A_88 : memref<12500x16xf32, #tpu.memory_space<vmem>>) target_semaphore(%dma_start3A_84 : memref<!tpu.dma_semaphore, #tpu.memory_space<semaphore_mem>>)
    } else {
    }
    return
  }
  func.func @transform_1(%arg0: i32) -> (i32, i32) {
    %c0_i32 = arith.constant 0 : i32
    %c0_i32_0 = arith.constant 0 : i32
    %c0_i32_1 = arith.constant 0 : i32
    return %c0_i32, %c0_i32_0 : i32, i32
  }
  func.func @transform_2(%arg0: i32) -> (i32, i32) {
    %c0_i32 = arith.constant 0 : i32
    %c0_i32_0 = arith.constant 0 : i32
    %c0_i32_1 = arith.constant 0 : i32
    return %c0_i32, %c0_i32_0 : i32, i32
  }
  func.func @transform_3(%arg0: i32) -> (i32, i32) {
    %c0_i32 = arith.constant 0 : i32
    %c0_i32_0 = arith.constant 0 : i32
    %c0_i32_1 = arith.constant 0 : i32
    return %c0_i32, %c0_i32_0 : i32, i32
  }
}

</mosaic_0001>

<sc_bundles>
// kernel: kernel.4.cloned.1.call-start
scs
__scs_entry_jumppad:
0x0: {  	(pc) =	sbr.rel $0x88, $3  }
0x1: {  	(tag) =	ssettag $0x0;
	lr =	simm.s32 $0x1  }
0x2: {  	[smem:$0x3F9F] =	sst lr;
	_ =	strace $0xD0000000  }
0x3: {  	_ = 	snop  }
0x4: {  	_ = 	snop  }
0x5: {  	_ = 	snop  }
0x6: {  	_ = 	snop  }
0x7: {  	_ = 	snop  }
__scs_overlays_trampoline_lowered:
0x8: {  	[smem:$0x3FAE] =	sst s0  }
0x9: {  	[smem:$0x3FAF] =	sst s1  }
0xa: {  	[smem:$0x3FB0] =	sst s2  }
0xb: {  	[smem:$0x3FB1] =	sst s3  }
0xc: {  	[smem:$0x3FB2] =	sst s4  }
0xd: {  	[smem:$0x3FB3] =	sst s5  }
0xe: {  	[smem:$0x3FB4] =	sst s6  }
0xf: {  	[smem:$0x3FB5] =	sst s7  }
0x10: {  	[smem:$0x3FB6] =	sst s8  }
0x11: {  	[smem:$0x3FB7] =	sst s9;
	s0 =	simm.s32 @!p0 $0x0  }
0x12: {  	s1 =	sld [smem:$0x3F9D];
	s0 =	simm.s32 @p0 $0x1  }
0x13: {  	[smem:$0x3FB8] =	sst s0;
	s0 =	simm.s32 @!p1 $0x0  }
0x14: {  	s2 =	sld [smem:$0x3F9C];
	s0 =	simm.s32 @p1 $0x1  }
0x15: {  	[smem:$0x3FB9] =	sst s0;
	s0 =	simm.s32 @!p2 $0x0  }
0x16: {  	s3 =	sld [smem:$0x3FDB];
	s0 =	simm.s32 @p2 $0x1  }
0x17: {  	s4 =	simm.s32 $0x1BF5;
	[smem:$0x3FBB] =	sst s0  }
0x18: {  	s0 =	sld [smem:$0x3F9E];
	_ =	swait.ge [sflag:s4], $0x0  }
0x19: {  	s7 =	sld [smem:$0x3F9F]  }
0x1a: {  	s8 =	sadd.s32 $0xFFFFE003, lr  }
0x1b: {  	s9 =	sadd.s32 $0xFFFFFEF7, lr;
	s5 =	simm.s32 $0xFFFFFFFF;
	p2 =	slt.u32 s8, $0xFFFFF086  }
0x1c: {  	p1 =	slt.u32 s9, $0xF7A;
	s5 =	simm.s32 @!p2 $0x0  }
0x1d: {  	s5 =	simm.s32 @p1 $0x1;
	p0 =	seq.s32 s7, s2  }
0x1e: {  	s7 =	smul.u32 @!p0 $0xF7A, s2;
	p2 =	seq.s32 @!p0 s5, $0x0  }
0x1f: {  	s9 =	smul.u32 $0xF7A, s1;
	s8 =	simm.s32 @!p0 $0x1BF5;
	p2 =	por !p2, p0  }
0x20: {  	[sflag:s8] =	ssyncset.s32 @!p0 $0xFFFFF086;
	s6 =	sadd.s32 @!p0 s3, s7;
	s7 =	simm.s32 @!p0 $0x108  }
0x21: {  	s3 =	sadd.s32 s3, s9;
	s6 =	sadd.s32 @!p0 $0x88, s6;
	s7 =	simm.s32 @p2 $0x1082  }
0x22: {  	[simem:s7], [sflag:s8] =	dma.local @!p0 [hbm:s6], $0xF7A  }
0x23: {  	s9 =	sor.u32 $0xD0000000, s2;
	s6 =	simm.s32 $0x108;
	_ =	swait.ge @!p0 [sflag:s8], $0x0  }
0x24: {  	s3 =	sadd.s32 $0x88, s3;
	s6 =	simm.s32 @!p1 $0x1082;
	[sflag:s4] =	ssyncset.s32 $0xFFFFF086  }
0x25: {  	[simem:s6], [sflag:s4] =	dma.local [hbm:s3], $0xF7A  }
0x26: {  	[smem:$0x3F9F] =	sst s1;
	(tag) =	ssettag s2;
	_ =	strace s9  }
0x27: {  	s1 =	sld [smem:$0x3FAF]  }
0x28: {  	s2 =	sld [smem:$0x3FB0]  }
0x29: {  	s4 =	sld [smem:$0x3FB2]  }
0x2a: {  	p0 =	seq.s32 s5, $0x0;
	s5 =	sld [smem:$0x3FB3]  }
0x2b: {  	s6 =	sld [smem:$0x3FB4]  }
0x2c: {  	s7 =	sld [smem:$0x3FB5]  }
0x2d: {  	s3 =	simm.s32 $0x108;
	s8 =	sld [smem:$0x3FB6]  }
0x2e: {  	s3 =	simm.s32 @!p0 $0x1082;
	s9 =	sld [smem:$0x3FB7]  }
0x2f: {  	lr =	sadd.s32 s0, s3;
	s0 =	sld [smem:$0x3FAE]  }
0x30: {  	s3 =	sld [smem:$0x3FB1]  }
0x31: {  	[smem:$0x3FBA] =	sst s10  }
0x32: {  	s10 =	sld [smem:$0x3FB8];
	_ =	sdelay $0x3  }
0x33: {  	p0 =	seq.s32 s10, $0x1;
	s10 =	sld [smem:$0x3FBA];
	_ =	sdelay $0x3  }
0x34: {  	[smem:$0x3FBA] =	sst s10  }
0x35: {  	s10 =	sld [smem:$0x3FB9];
	_ =	sdelay $0x3  }
0x36: {  	p1 =	seq.s32 s10, $0x1;
	s10 =	sld [smem:$0x3FBA];
	_ =	sdelay $0x3  }
0x37: {  	[smem:$0x3FBA] =	sst s10  }
0x38: {  	s10 =	sld [smem:$0x3FBB]  }
0x39: {  	_ = 	snop;
	(pc) =	sbr.ind lr, $3  }
0x3a: {  	_ = 	snop  }
0x3b: {  	_ = 	snop  }
0x3c: {  	p2 =	seq.s32 s10, $0x1;
	s10 =	sld [smem:$0x3FBA]  }
0x3d: {  	_ =	shalt  }
0x3e: {  	_ =	shalt  }
0x3f: {  	_ =	shalt  }
0x40: {  	_ =	shalt  }
0x41: {  	_ =	shalt  }
0x42: {  	_ =	shalt  }
0x43: {  	_ =	shalt  }
0x44: {  	_ =	shalt  }
0x45: {  	_ =	shalt  }
0x46: {  	_ =	shalt  }
0x47: {  	_ =	shalt  }
0x48: {  	_ =	shalt  }
0x49: {  	_ =	shalt  }
0x4a: {  	_ =	shalt  }
0x4b: {  	_ =	shalt  }
0x4c: {  	_ =	shalt  }
0x4d: {  	_ =	shalt  }
0x4e: {  	_ =	shalt  }
0x4f: {  	_ =	shalt  }
0x50: {  	_ =	shalt  }
0x51: {  	_ =	shalt  }
0x52: {  	_ =	shalt  }
0x53: {  	_ =	shalt  }
0x54: {  	_ =	shalt  }
0x55: {  	_ =	shalt  }
0x56: {  	_ =	shalt  }
0x57: {  	_ =	shalt  }
0x58: {  	_ =	shalt  }
0x59: {  	_ =	shalt  }
0x5a: {  	_ =	shalt  }
0x5b: {  	_ =	shalt  }
0x5c: {  	_ =	shalt  }
0x5d: {  	_ =	shalt  }
0x5e: {  	_ =	shalt  }
0x5f: {  	_ =	shalt  }
0x60: {  	_ =	shalt  }
0x61: {  	_ =	shalt  }
0x62: {  	_ =	shalt  }
0x63: {  	_ =	shalt  }
0x64: {  	_ =	shalt  }
0x65: {  	_ =	shalt  }
0x66: {  	_ =	shalt  }
0x67: {  	_ =	shalt  }
0x68: {  	_ =	shalt  }
0x69: {  	_ =	shalt  }
0x6a: {  	_ =	shalt  }
0x6b: {  	_ =	shalt  }
0x6c: {  	_ =	shalt  }
0x6d: {  	_ =	shalt  }
0x6e: {  	_ =	shalt  }
0x6f: {  	_ =	shalt  }
0x70: {  	_ =	shalt  }
0x71: {  	_ =	shalt  }
0x72: {  	_ =	shalt  }
0x73: {  	_ =	shalt  }
0x74: {  	_ =	shalt  }
0x75: {  	_ =	shalt  }
0x76: {  	_ =	shalt  }
0x77: {  	_ =	shalt  }
0x78: {  	_ =	shalt  }
0x79: {  	_ =	shalt  }
0x7a: {  	_ =	shalt  }
0x7b: {  	_ =	shalt  }
0x7c: {  	_ =	shalt  }
0x7d: {  	_ =	shalt  }
0x7e: {  	_ =	shalt  }
0x7f: {  	_ =	shalt  }
0x80: {  	_ =	shalt  }
0x81: {  	_ =	shalt  }
0x82: {  	_ =	shalt  }
0x83: {  	_ =	shalt  }
0x84: {  	_ =	shalt  }
0x85: {  	_ =	shalt  }
0x86: {  	_ =	shalt  }
0x87: {  	_ =	shalt  }
.Lfunc_end0:
.L_simem_size_0:
called_computation_lowered:
.L_overlay_start_0:
0x88: {  	s2 =	sld [smem:$0x3FD9]  }
0x89: {  	s3 =	sld [smem:$0x3FFE];
	_ =	sdelay $0x1  }
0x8a: {  	s1 =	srdreg.scid  }
0x8b: {  	s0 =	sand.u32 $0x1, s1  }
0x8c: {  	s17 =	sshll.u32 s0, $0xA;
	s2 =	sadd.s32 s3, s2  }
0x8d: {  	s2 =	sadd.s32 s2, s17  }
0x8e: {  	[smem:$0x3FC6] =	sst s2  }
0x8f: {  	_ = 	snop  }
0x90: {  	s2 =	sld [smem:$0x3FD0];
	(tm) =	ssettm $0x1  }
0x91: {  	s18 =	sld [smem:$0x3FFB];
	_ =	sdelay $0x3  }
0x92: {  	_ =	strace s18  }
0x93: {  	s3 =	sld [smem:$0x3FFC];
	_ =	sdelay $0x3  }
0x94: {  	_ =	strace s3  }
0x95: {  	s3 =	sld [smem:$0x3FFD];
	_ =	sdelay $0x3  }
0x96: {  	_ =	strace s3  }
0x97: {  	_ =	strace $0x8FFFFFFF  }
0x98: {  	s19 =	sld [smem:$0x3FDB];
	_ =	sdelay $0x1  }
0x99: {  	s4 =	simm.s32 $_scs_section_size  }
0x9a: {  	s5 =	simm.s32 $_size__tile_overlayer_lowered;
	s6 =	simm.s32 $_tile_overlayer_lowered  }
0x9b: {  	s22 =	simm.s32 $0x1BFF;
	s21 =	sshll.u32 s6, $0x1;
	s3 =	sadd.s32 s4, s19  }
0x9c: {  	s7 =	simm.s32 $0x0;
	s20 =	sshll.u32 s5, $0x1;
	s5 =	sadd.s32 s21, s3  }
0x9d: {  	[timem:s7], [sflag:s22] =	dma.local [hbm:s5], s20  }
0x9e: {  	_ =	swait.ge [sflag:s22], s20  }
0x9f: {  	s4 =	ssub.s32 $0x0, s20;
	[sflag:s22] =	ssyncset.done $0x0  }
0xa0: {  	[sflag:s22] =	ssyncadd.s32 s4;
	_ =	sdelay $0x1  }
0xa1: {  	s23 =	simm.s32 $0x1B8B  }
0xa2: {  	_ =	swait.ge [sflag:s23], $0x1  }
0xa3: {  	[sflag:s23] =	ssyncset.done $0x0  }
0xa4: {  	s25 =	simm.s32 $0x1B8E;
	s24 =	sld [smem:$0x3FFE];
	[sflag:s23] =	ssyncadd.s32 $0xFFFFFFFF  }
0xa5: {  	s26 =	simm.s32 $execute0_lowered;
	[smem:$0x3FD2] =	sst s25  }
0xa6: {  	s5 =	sshll.u32 s26, $0x1;
	_ =	strace $0x80000046;
	[dreg:$0x1] =	wrdreg $0xFFFFFFFF  }
0xa7: {  	s28 =	simm.s32 $_size_execute0_lowered;
	s3 =	sadd.s32 s3, s5;
	[dreg:$0x0] =	wrdreg $0x0  }
0xa8: {  	s5 =	sshll.u32 s28, $0x1;
	[dreg:$0x2] =	wrdreg s3  }
0xa9: {  	[dreg:$0x3] =	wrdreg s5  }
0xaa: {  	[dreg:$0x4] =	wrdreg $0xC0  }
0xab: {  	_ =	task [dreg:s7], $0x5FFFF  }
0xac: {  	[dreg:$0x1] =	wrdreg $0xFFFFFFFF  }
0xad: {  	[dreg:$0x0] =	wrdreg $0x60  }
0xae: {  	[dreg:$0x2] =	wrdreg s24  }
0xaf: {  	[dreg:$0x3] =	wrdreg s2  }
0xb0: {  	[dreg:$0x4] =	wrdreg $0x9  }
0xb1: {  	_ =	task.clear_ibuf [dreg:s7], $0x5FFFF;
	_ =	strace $0x90000046  }
0xb2: {  	s29 =	simm.s32 $0x9;
	_ =	strace $0x80000048  }
0xb3: {  	_ =	swait.ge [sflag:s29], $0x1  }
0xb4: {  	[sflag:s29] =	ssyncadd.s32 $0xFFFFFFFF  }
0xb5: {  	_ =	strace $0x90000048  }
0xb6: {  	_ =	sfence  }
0xb7: {  	s30 =	sld [smem:$0x0];
	_ =	sdelay $0x2  }
0xb8: {  	s31 =	sshll.u32 s1, $0xD;
	s1 =	sshrl.u32 s1, $0x2  }
0xb9: {  	s3 =	sand.u32 $0x4000, s31;
	s1 =	sadd.s32 s1, s30  }
0xba: {  	s0 =	sor.u32 s3, s0;
	s1 =	sshll.u32 s1, $0x11  }
0xbb: {  	s0 =	sor.u32 s1, s0  }
0xbc: {  	s0 =	sadd.s32 $0x8F2B, s0  }
0xbd: {  	[sflag:s0] =	ssyncadd.remote.s32 $0x1  }
0xbe: {  	_ =	sfence.sel $0xFFFF  }
0xbf: {  	[dreg:$0x0] =	wrdreg $0xFFFFFFFF;
	(pc) =	sbr.abs _section_cstart, $3  }
0xc0: {  	[dreg:$0x1] =	wrdreg $0xFFFFFFFF  }
0xc1: {  	_ =	task.clear_ibuf [dreg:s7], $0x2FFFF;
	_ =	strace $0x9FFFFFFF  }
0xc2: {  	(tm) =	ssettm $0x7FFFFFFF  }
0xc3: {  	_ =	shalt  }
tec
execute0_lowered:
.L_overlay_start_1:
0x0: {  	(tag) =	ssettag $0x1  }
0x1: {  	s1 =	srdreg.scid  }
0x2: {  	s4 =	sand.u32 $0x1, s1;
	s1 =	stileid.u32  }
0x3: {  	s5 =	sshll.u32 s1, $0x1;
	s6 =	ssub.s32 $0x0, s4  }
0x4: {  	p0 =	sne.s32 s5, s6  }
.Ltmp0:
0x5: {  	s3 =	rddreg [dreg:$0x0];
	(pc) =	sbr.rel @p0 .LBB2_5-.Ltmp0, $4  }
0x6: {  	s0 =	rddreg [dreg:$0x1]  }
0x7: {  	s2 =	simm.s32 $0x0;
	[dreg:$0x4] =	wrdreg s0  }
0x8: {  	[smem:$0x7FF] =	sst s2  }
0x9: {  	s0 =	rddreg [dreg:$0x2];
	_ =	strace $0x80000047  }
0xa: {  	s5 =	sadd.s32 $0xF42800, s3  }
0xb: {  	s24 =	simm.s32 $0x100;
	[dreg:$0x3] =	wrdreg s5  }
0xc: {  	s25 =	simm.s32 $0x180;
	[dreg:$0x5] =	wrdreg s24  }
0xd: {  	s26 =	simm.s32 $0x200;
	[dreg:$0x6] =	wrdreg s25  }
0xe: {  	s28 =	simm.s32 $0x280;
	[dreg:$0x7] =	wrdreg s26  }
0xf: {  	s29 =	simm.s32 $0x300;
	[dreg:$0x8] =	wrdreg s28  }
0x10: {  	s30 =	simm.s32 $0x380;
	[dreg:$0x9] =	wrdreg s29  }
0x11: {  	s31 =	simm.s32 $0x400;
	[dreg:$0xa] =	wrdreg s30  }
0x12: {  	s6 =	simm.s32 $0x480;
	[dreg:$0xb] =	wrdreg s31  }
0x13: {  	s7 =	simm.s32 $0x500;
	[dreg:$0xc] =	wrdreg s6  }
0x14: {  	s8 =	simm.s32 $0x580;
	[dreg:$0xd] =	wrdreg s7  }
0x15: {  	s9 =	simm.s32 $0x600;
	[dreg:$0xe] =	wrdreg s8  }
0x16: {  	s10 =	simm.s32 $0x680;
	[dreg:$0xf] =	wrdreg s9  }
0x17: {  	s11 =	simm.s32 $0x700;
	[dreg:$0x10] =	wrdreg s10  }
0x18: {  	s12 =	simm.s32 $0x780;
	[dreg:$0x11] =	wrdreg s11  }
0x19: {  	s13 =	simm.s32 $0x800;
	[dreg:$0x12] =	wrdreg s12  }
0x1a: {  	s14 =	simm.s32 $0x880;
	[dreg:$0x13] =	wrdreg s13  }
0x1b: {  	s15 =	simm.s32 $0x900;
	[dreg:$0x14] =	wrdreg s14  }
0x1c: {  	s16 =	simm.s32 $0x980;
	[dreg:$0x15] =	wrdreg s15  }
0x1d: {  	s17 =	simm.s32 $0xA00;
	[dreg:$0x16] =	wrdreg s16  }
0x1e: {  	s18 =	simm.s32 $0xA80;
	[dreg:$0x17] =	wrdreg s17  }
0x1f: {  	s19 =	simm.s32 $0xB00;
	[dreg:$0x18] =	wrdreg s18  }
0x20: {  	s20 =	simm.s32 $0xB80;
	[dreg:$0x19] =	wrdreg s19  }
0x21: {  	s21 =	simm.s32 $0xC00;
	[dreg:$0x1a] =	wrdreg s20  }
0x22: {  	s22 =	simm.s32 $0xC80;
	s4 =	ssub.s32 $0x2, s4;
	[dreg:$0x1b] =	wrdreg s21  }
0x23: {  	s23 =	simm.s32 $0xD00;
	[dreg:$0x1c] =	wrdreg s22;
	s25 =	sshrl.u32 s4, $0x1  }
0x24: {  	[dreg:$0x1d] =	wrdreg s23;
	s24 =	simm.s32 $0xD80;
	s4 =	ssub.s32 s4, s25  }
0x25: {  	s26 =	simm.s32 $0xE00;
	[dreg:$0x1e] =	wrdreg s24;
	s7 =	smax.u32 s4, $0x1  }
0x26: {  	s28 =	simm.s32 $0xE80;
	[dreg:$0x1f] =	wrdreg s26;
	p1 =	sne.s32 s7, $0x1  }
.Ltmp1:
0x27: {  	s29 =	simm.s32 $0xF00;
	[smem:$0x7FA] =	sst s28;
	(pc) =	sbr.rel @!p1 .LBB2_4-.Ltmp1, $4  }
0x28: {  	p0 =	por $0x0, $0x0;
	s30 =	simm.s32 $0xF80;
	[smem:$0x7FB] =	sst s29  }
0x29: {  	s6 =	sadd.s32 $0x400, s3;
	s31 =	simm.s32 $0x1000;
	[smem:$0x7FC] =	sst s30  }
0x2a: {  	s3 =	simm.s32 $0x2;
	s5 =	simm.s32 $0x1;
	[smem:$0x7FD] =	sst s31  }
0x2b: {  	s8 =	rddreg [dreg:$0x3];
	s4 =	simm.s32 $0x80;
	s7 =	sadd.s32 $0xFFFFFFFF, s7  }
0x2c: {  	[tilespmem:s2], [sflag:$0x2] =	stream.linear.gather [hbm4b:s8+s2], $0x80, $0x38;
	[tilespmem:$0x1080] =	vst v63  }
0x2d: {  	_ =	swait.ge [sflag:s3], $0x80  }
0x2e: {  	[sflag:s3] =	ssyncset.done $0x0  }
0x2f: {  	[sflag:s3] =	ssyncadd.s32 $0xFFFFFF80  }
0x30: {  	v0 =	vld [tilespmem:$0x0];
	_ =	sdelay $0x4  }
0x31: {  	v0 =	vshll.u32 v0, $0x4  }
0x32: {  	(v2sf) =	vpush v0, $0x0  }
0x33: {  	(v2sf) =	vpush v0, $0x1  }
0x34: {  	(v2sf) =	vpush v0, $0x2;
	_ =	sdelay $0x1  }
0x35: {  	s9 =	rddreg [dreg:$0x11];
	(v2sf) =	vpush v0, $0x3  }
0x36: {  	s10 =	rddreg [dreg:$0x10]  }
0x37: {  	s11 =	rddreg [dreg:$0xf];
	(v2sf) =	vpush v0, $0x4  }
0x38: {  	s12 =	rddreg [dreg:$0xe]  }
0x39: {  	s13 =	rddreg [dreg:$0xd];
	(v2sf) =	vpush v0, $0x5  }
0x3a: {  	s14 =	rddreg [dreg:$0xc]  }
0x3b: {  	s15 =	rddreg [dreg:$0xb];
	(v2sf) =	vpush v0, $0x6  }
0x3c: {  	s16 =	rddreg [dreg:$0xa]  }
0x3d: {  	s17 =	rddreg [dreg:$0x9];
	(v2sf) =	vpush v0, $0x7  }
0x3e: {  	s18 =	rddreg [dreg:$0x8]  }
0x3f: {  	s19 =	rddreg [dreg:$0x7];
	(v2sf) =	vpush v0, $0x8  }
0x40: {  	s20 =	rddreg [dreg:$0x6];
	s21 =	spop (v2sf)  }
0x41: {  	s22 =	rddreg [dreg:$0x5];
	s21 =	sand.u32 $0x1FFFFFF0, s21;
	s23 =	spop (v2sf);
	(v2sf) =	vpush v0, $0x9  }
0x42: {  	s21 =	sadd.s32 s6, s21;
	s23 =	sand.u32 $0x1FFFFFF0, s23;
	s24 =	spop (v2sf)  }
0x43: {  	(v2sf) =	vpush v0, $0xA;
	[tilespmem:s4], [sflag:$0x1] =	stream.linear.gather [hbm4b:s21+s2], $0x80, $0x38;
	[tilespmem:$0x1080] =	vst v63  }
0x44: {  	s29 =	sadd.s32 s6, s23;
	s30 =	sand.u32 $0x1FFFFFF0, s24;
	s31 =	spop (v2sf)  }
0x45: {  	(v2sf) =	vpush v0, $0xB;
	[tilespmem:s22], [sflag:$0x1] =	stream.linear.gather [hbm4b:s29+s2], $0x80, $0x38;
	[tilespmem:$0x1080] =	vst v63  }
0x46: {  	s25 =	sadd.s32 s6, s30;
	s26 =	sand.u32 $0x1FFFFFF0, s31;
	s28 =	spop (v2sf)  }
0x47: {  	(v2sf) =	vpush v0, $0xC;
	[tilespmem:s20], [sflag:$0x1] =	stream.linear.gather [hbm4b:s25+s2], $0x80, $0x38;
	[tilespmem:$0x1080] =	vst v63  }
0x48: {  	s29 =	sadd.s32 s6, s26;
	s30 =	sand.u32 $0x1FFFFFF0, s28;
	s31 =	spop (v2sf)  }
0x49: {  	(v2sf) =	vpush v0, $0xD;
	[tilespmem:s19], [sflag:$0x1] =	stream.linear.gather [hbm4b:s29+s2], $0x80, $0x38;
	[tilespmem:$0x1080] =	vst v63  }
0x4a: {  	s21 =	sadd.s32 s6, s30;
	s23 =	sand.u32 $0x1FFFFFF0, s31;
	s24 =	spop (v2sf)  }
0x4b: {  	(v2sf) =	vpush v0, $0xE;
	[tilespmem:s18], [sflag:$0x1] =	stream.linear.gather [hbm4b:s21+s2], $0x80, $0x38;
	[tilespmem:$0x1080] =	vst v63  }
0x4c: {  	s25 =	sadd.s32 s6, s23;
	s26 =	sand.u32 $0x1FFFFFF0, s24;
	s28 =	spop (v2sf)  }
0x4d: {  	(v2sf) =	vpush v0, $0xF;
	[tilespmem:s17], [sflag:$0x1] =	stream.linear.gather [hbm4b:s25+s2], $0x80, $0x38;
	[tilespmem:$0x1080] =	vst v63  }
0x4e: {  	s30 =	sand.u32 $0x1FFFFFF0, s28;
	s31 =	spop (v2sf);
	s29 =	sadd.s32 s6, s26  }
0x4f: {  	[tilespmem:s16], [sflag:$0x1] =	stream.linear.gather [hbm4b:s29+s2], $0x80, $0x38;
	[tilespmem:$0x1080] =	vst v63  }
0x50: {  	s20 =	sand.u32 $0x1FFFFFF0, s31;
	s18 =	sadd.s32 s6, s30;
	s21 =	spop (v2sf)  }
0x51: {  	[tilespmem:s15], [sflag:$0x1] =	stream.linear.gather [hbm4b:s18+s2], $0x80, $0x38;
	[tilespmem:$0x1080] =	vst v63  }
0x52: {  	s22 =	sadd.s32 s6, s20;
	s23 =	sand.u32 $0x1FFFFFF0, s21;
	s24 =	spop (v2sf)  }
0x53: {  	[tilespmem:s14], [sflag:$0x1] =	stream.linear.gather [hbm4b:s22+s2], $0x80, $0x38;
	[tilespmem:$0x1080] =	vst v63  }
0x54: {  	s25 =	sadd.s32 s6, s23;
	s26 =	sand.u32 $0x1FFFFFF0, s24;
	s28 =	spop (v2sf)  }
0x55: {  	[tilespmem:s13], [sflag:$0x1] =	stream.linear.gather [hbm4b:s25+s2], $0x80, $0x38;
	[tilespmem:$0x1080] =	vst v63  }
0x56: {  	s29 =	sadd.s32 s6, s26;
	s30 =	sand.u32 $0x1FFFFFF0, s28;
	s31 =	spop (v2sf)  }
0x57: {  	[tilespmem:s12], [sflag:$0x1] =	stream.linear.gather [hbm4b:s29+s2], $0x80, $0x38;
	[tilespmem:$0x1080] =	vst v63  }
0x58: {  	s14 =	sadd.s32 s6, s30;
	s15 =	sand.u32 $0x1FFFFFF0, s31;
	s16 =	spop (v2sf)  }
0x59: {  	[tilespmem:s11], [sflag:$0x1] =	stream.linear.gather [hbm4b:s14+s2], $0x80, $0x38;
	[tilespmem:$0x1080] =	vst v63  }
0x5a: {  	s17 =	sadd.s32 s6, s15;
	s18 =	sand.u32 $0x1FFFFFF0, s16;
	s19 =	spop (v2sf)  }
0x5b: {  	[tilespmem:s10], [sflag:$0x1] =	stream.linear.gather [hbm4b:s17+s2], $0x80, $0x38;
	[tilespmem:$0x1080] =	vst v63  }
0x5c: {  	s20 =	sadd.s32 s6, s18;
	s21 =	sand.u32 $0x1FFFFFF0, s19;
	s22 =	spop (v2sf)  }
0x5d: {  	[tilespmem:s9], [sflag:$0x1] =	stream.linear.gather [hbm4b:s20+s2], $0x80, $0x38;
	[tilespmem:$0x1080] =	vst v63  }
0x5e: {  	s8 =	rddreg [dreg:$0x12];
	s23 =	sadd.s32 s6, s21;
	s24 =	sand.u32 $0x1FFFFFF0, s22  }
0x5f: {  	[tilespmem:s8], [sflag:$0x1] =	stream.linear.gather [hbm4b:s23+s2], $0x80, $0x38;
	[tilespmem:$0x1080] =	vst v63  }
0x60: {  	s25 =	rddreg [dreg:$0x13];
	s26 =	sadd.s32 s6, s24  }
0x61: {  	[tilespmem:s25], [sflag:$0x1] =	stream.linear.gather [hbm4b:s26+s2], $0x80, $0x38;
	[tilespmem:$0x1080] =	vst v63  }
0x62: {  	v63 =	vld [tilespmem:$0x10];
	_ =	sdelay $0x4  }
0x63: {  	v0 =	vshll.u32 v63, $0x4  }
0x64: {  	(v2sf) =	vpush v0, $0x0  }
0x65: {  	(v2sf) =	vpush v0, $0x1  }
0x66: {  	s28 =	rddreg [dreg:$0x14];
	(v2sf) =	vpush v0, $0x2  }
0x67: {  	s30 =	rddreg [dreg:$0x15]  }
0x68: {  	s13 =	rddreg [dreg:$0x1d];
	(v2sf) =	vpush v0, $0x3  }
0x69: {  	s15 =	rddreg [dreg:$0x1b]  }
0x6a: {  	s16 =	rddreg [dreg:$0x1a];
	(v2sf) =	vpush v0, $0x4  }
0x6b: {  	s18 =	rddreg [dreg:$0x18]  }
0x6c: {  	s19 =	rddreg [dreg:$0x17];
	(v2sf) =	vpush v0, $0x5  }
0x6d: {  	s12 =	rddreg [dreg:$0x1e]  }
0x6e: {  	s11 =	rddreg [dreg:$0x1f];
	(v2sf) =	vpush v0, $0x6  }
0x6f: {  	s14 =	rddreg [dreg:$0x1c]  }
0x70: {  	s10 =	sld [smem:$0x7FA];
	(v2sf) =	vpush v0, $0x7  }
0x71: {  	s17 =	rddreg [dreg:$0x19]  }
0x72: {  	s9 =	sld [smem:$0x7FB];
	(v2sf) =	vpush v0, $0x8  }
0x73: {  	s20 =	rddreg [dreg:$0x16];
	s29 =	spop (v2sf)  }
0x74: {  	s8 =	sld [smem:$0x7FC];
	(v2sf) =	vpush v0, $0x9;
	s22 =	sand.u32 $0x1FFFFFF0, s29;
	s31 =	spop (v2sf)  }
0x75: {  	s22 =	sadd.s32 s6, s22;
	s24 =	sand.u32 $0x1FFFFFF0, s31;
	s25 =	spop (v2sf)  }
0x76: {  	(v2sf) =	vpush v0, $0xA;
	[tilespmem:s28], [sflag:$0x1] =	stream.linear.gather [hbm4b:s22+s2], $0x80, $0x38;
	[tilespmem:$0x1080] =	vst v63  }
0x77: {  	s24 =	sadd.s32 s6, s24;
	s26 =	sand.u32 $0x1FFFFFF0, s25;
	s28 =	spop (v2sf)  }
0x78: {  	(v2sf) =	vpush v0, $0xB;
	[tilespmem:s30], [sflag:$0x1] =	stream.linear.gather [hbm4b:s24+s2], $0x80, $0x38;
	[tilespmem:$0x1080] =	vst v63  }
0x79: {  	s29 =	sadd.s32 s6, s26;
	s31 =	spop (v2sf);
	s30 =	sand.u32 $0x1FFFFFF0, s28  }
0x7a: {  	(v2sf) =	vpush v0, $0xC;
	[tilespmem:s20], [sflag:$0x1] =	stream.linear.gather [hbm4b:s29+s2], $0x80, $0x38;
	[tilespmem:$0x1080] =	vst v63  }
0x7b: {  	s23 =	sand.u32 $0x1FFFFFF0, s31;
	s24 =	spop (v2sf);
	s22 =	sadd.s32 s6, s30  }
0x7c: {  	(v2sf) =	vpush v0, $0xD;
	[tilespmem:s19], [sflag:$0x1] =	stream.linear.gather [hbm4b:s22+s2], $0x80, $0x38;
	[tilespmem:$0x1080] =	vst v63  }
0x7d: {  	s25 =	sadd.s32 s6, s23;
	s26 =	sand.u32 $0x1FFFFFF0, s24;
	s28 =	spop (v2sf)  }
0x7e: {  	(v2sf) =	vpush v0, $0xE;
	[tilespmem:s18], [sflag:$0x1] =	stream.linear.gather [hbm4b:s25+s2], $0x80, $0x38;
	[tilespmem:$0x1080] =	vst v63  }
0x7f: {  	s29 =	sadd.s32 s6, s26;
	s30 =	sand.u32 $0x1FFFFFF0, s28;
	s31 =	spop (v2sf)  }
0x80: {  	(v2sf) =	vpush v0, $0xF;
	[tilespmem:s17], [sflag:$0x1] =	stream.linear.gather [hbm4b:s29+s2], $0x80, $0x38;
	[tilespmem:$0x1080] =	vst v63  }
0x81: {  	s20 =	sand.u32 $0x1FFFFFF0, s31;
	s21 =	spop (v2sf);
	s19 =	sadd.s32 s6, s30  }
0x82: {  	[tilespmem:s16], [sflag:$0x1] =	stream.linear.gather [hbm4b:s19+s2], $0x80, $0x38;
	[tilespmem:$0x1080] =	vst v63  }
0x83: {  	s22 =	sadd.s32 s6, s20;
	s23 =	sand.u32 $0x1FFFFFF0, s21;
	s24 =	spop (v2sf)  }
0x84: {  	[tilespmem:s15], [sflag:$0x1] =	stream.linear.gather [hbm4b:s22+s2], $0x80, $0x38;
	[tilespmem:$0x1080] =	vst v63  }
0x85: {  	s25 =	sadd.s32 s6, s23;
	s26 =	sand.u32 $0x1FFFFFF0, s24;
	s28 =	spop (v2sf)  }
0x86: {  	[tilespmem:s14], [sflag:$0x1] =	stream.linear.gather [hbm4b:s25+s2], $0x80, $0x38;
	[tilespmem:$0x1080] =	vst v63  }
0x87: {  	s29 =	sadd.s32 s6, s26;
	s30 =	sand.u32 $0x1FFFFFF0, s28;
	s31 =	spop (v2sf)  }
0x88: {  	[tilespmem:s13], [sflag:$0x1] =	stream.linear.gather [hbm4b:s29+s2], $0x80, $0x38;
	[tilespmem:$0x1080] =	vst v63  }
0x89: {  	s15 =	sand.u32 $0x1FFFFFF0, s31;
	s16 =	spop (v2sf);
	s14 =	sadd.s32 s6, s30  }
0x8a: {  	[tilespmem:s12], [sflag:$0x1] =	stream.linear.gather [hbm4b:s14+s2], $0x80, $0x38;
	[tilespmem:$0x1080] =	vst v63  }
0x8b: {  	s17 =	sadd.s32 s6, s15;
	s18 =	sand.u32 $0x1FFFFFF0, s16;
	s19 =	spop (v2sf)  }
0x8c: {  	[tilespmem:s11], [sflag:$0x1] =	stream.linear.gather [hbm4b:s17+s2], $0x80, $0x38;
	[tilespmem:$0x1080] =	vst v63  }
0x8d: {  	s20 =	sadd.s32 s6, s18;
	s21 =	sand.u32 $0x1FFFFFF0, s19;
	s22 =	spop (v2sf)  }
0x8e: {  	[tilespmem:s10], [sflag:$0x1] =	stream.linear.gather [hbm4b:s20+s2], $0x80, $0x38;
	[tilespmem:$0x1080] =	vst v63  }
0x8f: {  	s23 =	sadd.s32 s6, s21;
	s24 =	sand.u32 $0x1FFFFFF0, s22;
	s25 =	spop (v2sf)  }
0x90: {  	[tilespmem:s9], [sflag:$0x1] =	stream.linear.gather [hbm4b:s23+s2], $0x80, $0x38;
	[tilespmem:$0x1080] =	vst v63  }
0x91: {  	s29 =	sld [smem:$0x7FD];
	s26 =	sadd.s32 s6, s24;
	s28 =	sand.u32 $0x1FFFFFF0, s25  }
0x92: {  	[tilespmem:s8], [sflag:$0x1] =	stream.linear.gather [hbm4b:s26+s2], $0x80, $0x38;
	[tilespmem:$0x1080] =	vst v63  }
0x93: {  	s30 =	sadd.s32 s6, s28  }
0x94: {  	[tilespmem:s29], [sflag:$0x1] =	stream.linear.gather [hbm4b:s30+s2], $0x80, $0x38;
	[tilespmem:$0x1080] =	vst v63  }
0x95: {  	_ =	swait.ge [sflag:s5], $0x80  }
0x96: {  	[sflag:s5] =	ssyncset.done $0x0  }
0x97: {  	[sflag:s5] =	ssyncadd.s32 $0xFFFFFF80  }
0x98: {  	_ =	swait.ge [sflag:s5], $0x80  }
0x99: {  	[sflag:s5] =	ssyncset.done $0x0  }
0x9a: {  	[sflag:s5] =	ssyncadd.s32 $0xFFFFFF80  }
0x9b: {  	_ =	swait.ge [sflag:s5], $0x80  }
0x9c: {  	[sflag:s5] =	ssyncset.done $0x0  }
0x9d: {  	[sflag:s5] =	ssyncadd.s32 $0xFFFFFF80  }
0x9e: {  	_ =	swait.ge [sflag:s5], $0x80  }
0x9f: {  	[sflag:s5] =	ssyncset.done $0x0  }
0xa0: {  	[sflag:s5] =	ssyncadd.s32 $0xFFFFFF80  }
0xa1: {  	_ =	swait.ge [sflag:s5], $0x80  }
0xa2: {  	[sflag:s5] =	ssyncset.done $0x0  }
0xa3: {  	[sflag:s5] =	ssyncadd.s32 $0xFFFFFF80  }
0xa4: {  	_ =	swait.ge [sflag:s5], $0x80  }
0xa5: {  	[sflag:s5] =	ssyncset.done $0x0  }
0xa6: {  	[sflag:s5] =	ssyncadd.s32 $0xFFFFFF80  }
0xa7: {  	_ =	swait.ge [sflag:s5], $0x80  }
0xa8: {  	[sflag:s5] =	ssyncset.done $0x0  }
0xa9: {  	[sflag:s5] =	ssyncadd.s32 $0xFFFFFF80  }
0xaa: {  	_ =	swait.ge [sflag:s5], $0x80  }
0xab: {  	[sflag:s5] =	ssyncset.done $0x0  }
0xac: {  	[sflag:s5] =	ssyncadd.s32 $0xFFFFFF80  }
0xad: {  	_ =	swait.ge [sflag:s5], $0x80  }
0xae: {  	[sflag:s5] =	ssyncset.done $0x0  }
0xaf: {  	[sflag:s5] =	ssyncadd.s32 $0xFFFFFF80  }
0xb0: {  	_ =	swait.ge [sflag:s5], $0x80  }
0xb1: {  	[sflag:s5] =	ssyncset.done $0x0  }
0xb2: {  	[sflag:s5] =	ssyncadd.s32 $0xFFFFFF80  }
0xb3: {  	_ =	swait.ge [sflag:s5], $0x80  }
0xb4: {  	[sflag:s5] =	ssyncset.done $0x0  }
0xb5: {  	[sflag:s5] =	ssyncadd.s32 $0xFFFFFF80  }
0xb6: {  	_ =	swait.ge [sflag:s5], $0x80  }
0xb7: {  	[sflag:s5] =	ssyncset.done $0x0  }
0xb8: {  	[sflag:s5] =	ssyncadd.s32 $0xFFFFFF80  }
0xb9: {  	_ =	swait.ge [sflag:s5], $0x80  }
0xba: {  	[sflag:s5] =	ssyncset.done $0x0  }
0xbb: {  	[sflag:s5] =	ssyncadd.s32 $0xFFFFFF80  }
0xbc: {  	_ =	swait.ge [sflag:s5], $0x80  }
0xbd: {  	[sflag:s5] =	ssyncset.done $0x0  }
0xbe: {  	[sflag:s5] =	ssyncadd.s32 $0xFFFFFF80  }
0xbf: {  	_ =	swait.ge [sflag:s5], $0x80  }
0xc0: {  	[sflag:s5] =	ssyncset.done $0x0  }
0xc1: {  	[sflag:s5] =	ssyncadd.s32 $0xFFFFFF80  }
0xc2: {  	_ =	swait.ge [sflag:s5], $0x80  }
0xc3: {  	[sflag:s5] =	ssyncset.done $0x0  }
0xc4: {  	[sflag:s5] =	ssyncadd.s32 $0xFFFFFF80  }
0xc5: {  	_ =	swait.ge [sflag:s5], $0x80  }
0xc6: {  	[sflag:s5] =	ssyncset.done $0x0  }
0xc7: {  	[sflag:s5] =	ssyncadd.s32 $0xFFFFFF80  }
0xc8: {  	_ =	swait.ge [sflag:s5], $0x80  }
0xc9: {  	[sflag:s5] =	ssyncset.done $0x0  }
0xca: {  	[sflag:s5] =	ssyncadd.s32 $0xFFFFFF80  }
0xcb: {  	_ =	swait.ge [sflag:s5], $0x80  }
0xcc: {  	[sflag:s5] =	ssyncset.done $0x0  }
0xcd: {  	[sflag:s5] =	ssyncadd.s32 $0xFFFFFF80  }
0xce: {  	_ =	swait.ge [sflag:s5], $0x80  }
0xcf: {  	[sflag:s5] =	ssyncset.done $0x0  }
0xd0: {  	[sflag:s5] =	ssyncadd.s32 $0xFFFFFF80  }
0xd1: {  	_ =	swait.ge [sflag:s5], $0x80  }
0xd2: {  	[sflag:s5] =	ssyncset.done $0x0  }
0xd3: {  	[sflag:s5] =	ssyncadd.s32 $0xFFFFFF80  }
0xd4: {  	_ =	swait.ge [sflag:s5], $0x80  }
0xd5: {  	[sflag:s5] =	ssyncset.done $0x0  }
0xd6: {  	[sflag:s5] =	ssyncadd.s32 $0xFFFFFF80  }
0xd7: {  	_ =	swait.ge [sflag:s5], $0x80  }
0xd8: {  	[sflag:s5] =	ssyncset.done $0x0  }
0xd9: {  	[sflag:s5] =	ssyncadd.s32 $0xFFFFFF80  }
0xda: {  	_ =	swait.ge [sflag:s5], $0x80  }
0xdb: {  	[sflag:s5] =	ssyncset.done $0x0  }
0xdc: {  	[sflag:s5] =	ssyncadd.s32 $0xFFFFFF80  }
0xdd: {  	_ =	swait.ge [sflag:s5], $0x80  }
0xde: {  	[sflag:s5] =	ssyncset.done $0x0  }
0xdf: {  	[sflag:s5] =	ssyncadd.s32 $0xFFFFFF80  }
0xe0: {  	_ =	swait.ge [sflag:s5], $0x80  }
0xe1: {  	[sflag:s5] =	ssyncset.done $0x0  }
0xe2: {  	[sflag:s5] =	ssyncadd.s32 $0xFFFFFF80  }
0xe3: {  	_ =	swait.ge [sflag:s5], $0x80  }
0xe4: {  	[sflag:s5] =	ssyncset.done $0x0  }
0xe5: {  	[sflag:s5] =	ssyncadd.s32 $0xFFFFFF80  }
0xe6: {  	_ =	swait.ge [sflag:s5], $0x80  }
0xe7: {  	[sflag:s5] =	ssyncset.done $0x0  }
0xe8: {  	[sflag:s5] =	ssyncadd.s32 $0xFFFFFF80  }
0xe9: {  	_ =	swait.ge [sflag:s5], $0x80  }
0xea: {  	[sflag:s5] =	ssyncset.done $0x0  }
0xeb: {  	[sflag:s5] =	ssyncadd.s32 $0xFFFFFF80  }
0xec: {  	_ =	swait.ge [sflag:s5], $0x80  }
0xed: {  	[sflag:s5] =	ssyncset.done $0x0  }
0xee: {  	[sflag:s5] =	ssyncadd.s32 $0xFFFFFF80  }
0xef: {  	_ =	swait.ge [sflag:s5], $0x80  }
0xf0: {  	[sflag:s5] =	ssyncset.done $0x0  }
0xf1: {  	[sflag:s5] =	ssyncadd.s32 $0xFFFFFF80  }
0xf2: {  	p1 =	sne.s32 s7, $0x1;
	_ =	swait.ge [sflag:s5], $0x80  }
.Ltmp2:
0xf3: {  	[sflag:s5] =	ssyncset.done $0x0;
	(pc) =	sbr.rel @!p1 .LBB2_4-.Ltmp2, $4  }
0xf4: {  	s31 =	rddreg [dreg:$0x4];
	[sflag:s5] =	ssyncadd.s32 $0xFFFFFF80  }
0xf5: {  	[hbm4b:s31+s2] =	stream.linear.scatter [tilespmem:s4], [sflag:$0x2], $0x1000, $0x38;
	[tilespmem:$0x1080] =	vst v63  }
0xf6: {  	s7 =	sadd.s32 $0xFFFFFFFF, s7;
	_ =	swait.ge [sflag:s3], $0x1000  }
0xf7: {  	p0 =	por $0x1, $0x1;
	s8 =	rddreg [dreg:$0x3];
	[sflag:s3] =	ssyncset.done $0x0  }
.LBB2_3:
0xf8: {  	[sflag:s3] =	ssyncadd.s32 $0xFFFFF000  }
0xf9: {  	[tilespmem:s2], [sflag:$0x2] =	stream.linear.gather [hbm4b:s8+s2], $0x80, $0x38;
	[tilespmem:$0x1080] =	vst v63  }
0xfa: {  	_ =	swait.ge [sflag:s3], $0x80  }
0xfb: {  	[sflag:s3] =	ssyncset.done $0x0  }
0xfc: {  	[sflag:s3] =	ssyncadd.s32 $0xFFFFFF80  }
0xfd: {  	v0 =	vld [tilespmem:$0x0];
	_ =	sdelay $0x4  }
0xfe: {  	v0 =	vshll.u32 v0, $0x4  }
0xff: {  	(v2sf) =	vpush v0, $0x0  }
0x100: {  	(v2sf) =	vpush v0, $0x1  }
0x101: {  	(v2sf) =	vpush v0, $0x2;
	_ =	sdelay $0x1  }
0x102: {  	s9 =	rddreg [dreg:$0x11];
	(v2sf) =	vpush v0, $0x3  }
0x103: {  	s10 =	rddreg [dreg:$0x10]  }
0x104: {  	s11 =	rddreg [dreg:$0xf];
	(v2sf) =	vpush v0, $0x4  }
0x105: {  	s12 =	rddreg [dreg:$0xe]  }
0x106: {  	s13 =	rddreg [dreg:$0xd];
	(v2sf) =	vpush v0, $0x5  }
0x107: {  	s14 =	rddreg [dreg:$0xc]  }
0x108: {  	s15 =	rddreg [dreg:$0xb];
	(v2sf) =	vpush v0, $0x6  }
0x109: {  	s16 =	rddreg [dreg:$0xa]  }
0x10a: {  	s17 =	rddreg [dreg:$0x9];
	(v2sf) =	vpush v0, $0x7  }
0x10b: {  	s18 =	rddreg [dreg:$0x8]  }
0x10c: {  	s19 =	rddreg [dreg:$0x7];
	(v2sf) =	vpush v0, $0x8  }
0x10d: {  	s20 =	rddreg [dreg:$0x6];
	s21 =	spop (v2sf)  }
0x10e: {  	s22 =	rddreg [dreg:$0x5];
	s21 =	sand.u32 $0x1FFFFFF0, s21;
	s23 =	spop (v2sf);
	(v2sf) =	vpush v0, $0x9  }
0x10f: {  	s21 =	sadd.s32 s6, s21;
	s23 =	sand.u32 $0x1FFFFFF0, s23;
	s24 =	spop (v2sf)  }
0x110: {  	(v2sf) =	vpush v0, $0xA;
	[tilespmem:s4], [sflag:$0x1] =	stream.linear.gather [hbm4b:s21+s2], $0x80, $0x38;
	[tilespmem:$0x1080] =	vst v63  }
0x111: {  	s29 =	sadd.s32 s6, s23;
	s30 =	sand.u32 $0x1FFFFFF0, s24;
	s31 =	spop (v2sf)  }
0x112: {  	(v2sf) =	vpush v0, $0xB;
	[tilespmem:s22], [sflag:$0x1] =	stream.linear.gather [hbm4b:s29+s2], $0x80, $0x38;
	[tilespmem:$0x1080] =	vst v63  }
0x113: {  	s25 =	sadd.s32 s6, s30;
	s26 =	sand.u32 $0x1FFFFFF0, s31;
	s28 =	spop (v2sf)  }
0x114: {  	(v2sf) =	vpush v0, $0xC;
	[tilespmem:s20], [sflag:$0x1] =	stream.linear.gather [hbm4b:s25+s2], $0x80, $0x38;
	[tilespmem:$0x1080] =	vst v63  }
0x115: {  	s29 =	sadd.s32 s6, s26;
	s30 =	sand.u32 $0x1FFFFFF0, s28;
	s31 =	spop (v2sf)  }
0x116: {  	(v2sf) =	vpush v0, $0xD;
	[tilespmem:s19], [sflag:$0x1] =	stream.linear.gather [hbm4b:s29+s2], $0x80, $0x38;
	[tilespmem:$0x1080] =	vst v63  }
0x117: {  	s21 =	sadd.s32 s6, s30;
	s23 =	sand.u32 $0x1FFFFFF0, s31;
	s24 =	spop (v2sf)  }
0x118: {  	(v2sf) =	vpush v0, $0xE;
	[tilespmem:s18], [sflag:$0x1] =	stream.linear.gather [hbm4b:s21+s2], $0x80, $0x38;
	[tilespmem:$0x1080] =	vst v63  }
0x119: {  	s25 =	sadd.s32 s6, s23;
	s26 =	sand.u32 $0x1FFFFFF0, s24;
	s28 =	spop (v2sf)  }
0x11a: {  	(v2sf) =	vpush v0, $0xF;
	[tilespmem:s17], [sflag:$0x1] =	stream.linear.gather [hbm4b:s25+s2], $0x80, $0x38;
	[tilespmem:$0x1080] =	vst v63  }
0x11b: {  	s30 =	sand.u32 $0x1FFFFFF0, s28;
	s31 =	spop (v2sf);
	s29 =	sadd.s32 s6, s26  }
0x11c: {  	[tilespmem:s16], [sflag:$0x1] =	stream.linear.gather [hbm4b:s29+s2], $0x80, $0x38;
	[tilespmem:$0x1080] =	vst v63  }
0x11d: {  	s20 =	sand.u32 $0x1FFFFFF0, s31;
	s18 =	sadd.s32 s6, s30;
	s21 =	spop (v2sf)  }
0x11e: {  	[tilespmem:s15], [sflag:$0x1] =	stream.linear.gather [hbm4b:s18+s2], $0x80, $0x38;
	[tilespmem:$0x1080] =	vst v63  }
0x11f: {  	s22 =	sadd.s32 s6, s20;
	s23 =	sand.u32 $0x1FFFFFF0, s21;
	s24 =	spop (v2sf)  }
0x120: {  	[tilespmem:s14], [sflag:$0x1] =	stream.linear.gather [hbm4b:s22+s2], $0x80, $0x38;
	[tilespmem:$0x1080] =	vst v63  }
0x121: {  	s25 =	sadd.s32 s6, s23;
	s26 =	sand.u32 $0x1FFFFFF0, s24;
	s28 =	spop (v2sf)  }
0x122: {  	[tilespmem:s13], [sflag:$0x1] =	stream.linear.gather [hbm4b:s25+s2], $0x80, $0x38;
	[tilespmem:$0x1080] =	vst v63  }
0x123: {  	s29 =	sadd.s32 s6, s26;
	s30 =	sand.u32 $0x1FFFFFF0, s28;
	s31 =	spop (v2sf)  }
0x124: {  	[tilespmem:s12], [sflag:$0x1] =	stream.linear.gather [hbm4b:s29+s2], $0x80, $0x38;
	[tilespmem:$0x1080] =	vst v63  }
0x125: {  	s14 =	sadd.s32 s6, s30;
	s15 =	sand.u32 $0x1FFFFFF0, s31;
	s16 =	spop (v2sf)  }
0x126: {  	[tilespmem:s11], [sflag:$0x1] =	stream.linear.gather [hbm4b:s14+s2], $0x80, $0x38;
	[tilespmem:$0x1080] =	vst v63  }
0x127: {  	s17 =	sadd.s32 s6, s15;
	s18 =	sand.u32 $0x1FFFFFF0, s16;
	s19 =	spop (v2sf)  }
0x128: {  	[tilespmem:s10], [sflag:$0x1] =	stream.linear.gather [hbm4b:s17+s2], $0x80, $0x38;
	[tilespmem:$0x1080] =	vst v63  }
0x129: {  	s20 =	sadd.s32 s6, s18;
	s21 =	sand.u32 $0x1FFFFFF0, s19;
	s22 =	spop (v2sf)  }
0x12a: {  	[tilespmem:s9], [sflag:$0x1] =	stream.linear.gather [hbm4b:s20+s2], $0x80, $0x38;
	[tilespmem:$0x1080] =	vst v63  }
0x12b: {  	s8 =	rddreg [dreg:$0x12];
	s23 =	sadd.s32 s6, s21;
	s24 =	sand.u32 $0x1FFFFFF0, s22  }
0x12c: {  	[tilespmem:s8], [sflag:$0x1] =	stream.linear.gather [hbm4b:s23+s2], $0x80, $0x38;
	[tilespmem:$0x1080] =	vst v63  }
0x12d: {  	s25 =	rddreg [dreg:$0x13];
	s26 =	sadd.s32 s6, s24  }
0x12e: {  	[tilespmem:s25], [sflag:$0x1] =	stream.linear.gather [hbm4b:s26+s2], $0x80, $0x38;
	[tilespmem:$0x1080] =	vst v63  }
0x12f: {  	v63 =	vld [tilespmem:$0x10];
	_ =	sdelay $0x4  }
0x130: {  	v0 =	vshll.u32 v63, $0x4  }
0x131: {  	(v2sf) =	vpush v0, $0x0  }
0x132: {  	(v2sf) =	vpush v0, $0x1  }
0x133: {  	s28 =	rddreg [dreg:$0x14];
	(v2sf) =	vpush v0, $0x2  }
0x134: {  	s30 =	rddreg [dreg:$0x15]  }
0x135: {  	s13 =	rddreg [dreg:$0x1d];
	(v2sf) =	vpush v0, $0x3  }
0x136: {  	s15 =	rddreg [dreg:$0x1b]  }
0x137: {  	s16 =	rddreg [dreg:$0x1a];
	(v2sf) =	vpush v0, $0x4  }
0x138: {  	s18 =	rddreg [dreg:$0x18]  }
0x139: {  	s19 =	rddreg [dreg:$0x17];
	(v2sf) =	vpush v0, $0x5  }
0x13a: {  	s12 =	rddreg [dreg:$0x1e]  }
0x13b: {  	s11 =	rddreg [dreg:$0x1f];
	(v2sf) =	vpush v0, $0x6  }
0x13c: {  	s14 =	rddreg [dreg:$0x1c]  }
0x13d: {  	s10 =	sld [smem:$0x7FA];
	(v2sf) =	vpush v0, $0x7  }
0x13e: {  	s17 =	rddreg [dreg:$0x19]  }
0x13f: {  	s9 =	sld [smem:$0x7FB];
	(v2sf) =	vpush v0, $0x8  }
0x140: {  	s20 =	rddreg [dreg:$0x16];
	s29 =	spop (v2sf)  }
0x141: {  	s8 =	sld [smem:$0x7FC];
	s22 =	sand.u32 $0x1FFFFFF0, s29;
	s31 =	spop (v2sf);
	(v2sf) =	vpush v0, $0x9  }
0x142: {  	s22 =	sadd.s32 s6, s22;
	s24 =	sand.u32 $0x1FFFFFF0, s31;
	s25 =	spop (v2sf)  }
0x143: {  	(v2sf) =	vpush v0, $0xA;
	[tilespmem:s28], [sflag:$0x1] =	stream.linear.gather [hbm4b:s22+s2], $0x80, $0x38;
	[tilespmem:$0x1080] =	vst v63  }
0x144: {  	s24 =	sadd.s32 s6, s24;
	s26 =	sand.u32 $0x1FFFFFF0, s25;
	s28 =	spop (v2sf)  }
0x145: {  	(v2sf) =	vpush v0, $0xB;
	[tilespmem:s30], [sflag:$0x1] =	stream.linear.gather [hbm4b:s24+s2], $0x80, $0x38;
	[tilespmem:$0x1080] =	vst v63  }
0x146: {  	s29 =	sadd.s32 s6, s26;
	s31 =	spop (v2sf);
	s30 =	sand.u32 $0x1FFFFFF0, s28  }
0x147: {  	(v2sf) =	vpush v0, $0xC;
	[tilespmem:s20], [sflag:$0x1] =	stream.linear.gather [hbm4b:s29+s2], $0x80, $0x38;
	[tilespmem:$0x1080] =	vst v63  }
0x148: {  	s23 =	sand.u32 $0x1FFFFFF0, s31;
	s24 =	spop (v2sf);
	s22 =	sadd.s32 s6, s30  }
0x149: {  	(v2sf) =	vpush v0, $0xD;
	[tilespmem:s19], [sflag:$0x1] =	stream.linear.gather [hbm4b:s22+s2], $0x80, $0x38;
	[tilespmem:$0x1080] =	vst v63  }
0x14a: {  	s25 =	sadd.s32 s6, s23;
	s26 =	sand.u32 $0x1FFFFFF0, s24;
	s28 =	spop (v2sf)  }
0x14b: {  	(v2sf) =	vpush v0, $0xE;
	[tilespmem:s18], [sflag:$0x1] =	stream.linear.gather [hbm4b:s25+s2], $0x80, $0x38;
	[tilespmem:$0x1080] =	vst v63  }
0x14c: {  	s29 =	sadd.s32 s6, s26;
	s30 =	sand.u32 $0x1FFFFFF0, s28;
	s31 =	spop (v2sf)  }
0x14d: {  	(v2sf) =	vpush v0, $0xF;
	[tilespmem:s17], [sflag:$0x1] =	stream.linear.gather [hbm4b:s29+s2], $0x80, $0x38;
	[tilespmem:$0x1080] =	vst v63  }
0x14e: {  	s20 =	sand.u32 $0x1FFFFFF0, s31;
	s21 =	spop (v2sf);
	s19 =	sadd.s32 s6, s30  }
0x14f: {  	[tilespmem:s16], [sflag:$0x1] =	stream.linear.gather [hbm4b:s19+s2], $0x80, $0x38;
	[tilespmem:$0x1080] =	vst v63  }
0x150: {  	s22 =	sadd.s32 s6, s20;
	s23 =	sand.u32 $0x1FFFFFF0, s21;
	s24 =	spop (v2sf)  }
0x151: {  	[tilespmem:s15], [sflag:$0x1] =	stream.linear.gather [hbm4b:s22+s2], $0x80, $0x38;
	[tilespmem:$0x1080] =	vst v63  }
0x152: {  	s25 =	sadd.s32 s6, s23;
	s26 =	sand.u32 $0x1FFFFFF0, s24;
	s28 =	spop (v2sf)  }
0x153: {  	[tilespmem:s14], [sflag:$0x1] =	stream.linear.gather [hbm4b:s25+s2], $0x80, $0x38;
	[tilespmem:$0x1080] =	vst v63  }
0x154: {  	s29 =	sadd.s32 s6, s26;
	s30 =	sand.u32 $0x1FFFFFF0, s28;
	s31 =	spop (v2sf)  }
0x155: {  	[tilespmem:s13], [sflag:$0x1] =	stream.linear.gather [hbm4b:s29+s2], $0x80, $0x38;
	[tilespmem:$0x1080] =	vst v63  }
0x156: {  	s14 =	sadd.s32 s6, s30;
	s15 =	sand.u32 $0x1FFFFFF0, s31;
	s16 =	spop (v2sf)  }
0x157: {  	[tilespmem:s12], [sflag:$0x1] =	stream.linear.gather [hbm4b:s14+s2], $0x80, $0x38;
	[tilespmem:$0x1080] =	vst v63  }
0x158: {  	s17 =	sadd.s32 s6, s15;
	s18 =	sand.u32 $0x1FFFFFF0, s16;
	s19 =	spop (v2sf)  }
0x159: {  	[tilespmem:s11], [sflag:$0x1] =	stream.linear.gather [hbm4b:s17+s2], $0x80, $0x38;
	[tilespmem:$0x1080] =	vst v63  }
0x15a: {  	s20 =	sadd.s32 s6, s18;
	s21 =	sand.u32 $0x1FFFFFF0, s19;
	s22 =	spop (v2sf)  }
0x15b: {  	[tilespmem:s10], [sflag:$0x1] =	stream.linear.gather [hbm4b:s20+s2], $0x80, $0x38;
	[tilespmem:$0x1080] =	vst v63  }
0x15c: {  	s23 =	sadd.s32 s6, s21;
	s24 =	sand.u32 $0x1FFFFFF0, s22;
	s25 =	spop (v2sf)  }
0x15d: {  	[tilespmem:s9], [sflag:$0x1] =	stream.linear.gather [hbm4b:s23+s2], $0x80, $0x38;
	[tilespmem:$0x1080] =	vst v63  }
0x15e: {  	s29 =	sld [smem:$0x7FD];
	s26 =	sadd.s32 s6, s24;
	s28 =	sand.u32 $0x1FFFFFF0, s25  }
0x15f: {  	[tilespmem:s8], [sflag:$0x1] =	stream.linear.gather [hbm4b:s26+s2], $0x80, $0x38;
	[tilespmem:$0x1080] =	vst v63  }
0x160: {  	s30 =	sadd.s32 s6, s28  }
0x161: {  	[tilespmem:s29], [sflag:$0x1] =	stream.linear.gather [hbm4b:s30+s2], $0x80, $0x38;
	[tilespmem:$0x1080] =	vst v63  }
0x162: {  	_ =	swait.ge [sflag:s5], $0x80  }
0x163: {  	[sflag:s5] =	ssyncset.done $0x0  }
0x164: {  	[sflag:s5] =	ssyncadd.s32 $0xFFFFFF80  }
0x165: {  	_ =	swait.ge [sflag:s5], $0x80  }
0x166: {  	[sflag:s5] =	ssyncset.done $0x0  }
0x167: {  	[sflag:s5] =	ssyncadd.s32 $0xFFFFFF80  }
0x168: {  	_ =	swait.ge [sflag:s5], $0x80  }
0x169: {  	[sflag:s5] =	ssyncset.done $0x0  }
0x16a: {  	[sflag:s5] =	ssyncadd.s32 $0xFFFFFF80  }
0x16b: {  	_ =	swait.ge [sflag:s5], $0x80  }
0x16c: {  	[sflag:s5] =	ssyncset.done $0x0  }
0x16d: {  	[sflag:s5] =	ssyncadd.s32 $0xFFFFFF80  }
0x16e: {  	_ =	swait.ge [sflag:s5], $0x80  }
0x16f: {  	[sflag:s5] =	ssyncset.done $0x0  }
0x170: {  	[sflag:s5] =	ssyncadd.s32 $0xFFFFFF80  }
0x171: {  	_ =	swait.ge [sflag:s5], $0x80  }
0x172: {  	[sflag:s5] =	ssyncset.done $0x0  }
0x173: {  	[sflag:s5] =	ssyncadd.s32 $0xFFFFFF80  }
0x174: {  	_ =	swait.ge [sflag:s5], $0x80  }
0x175: {  	[sflag:s5] =	ssyncset.done $0x0  }
0x176: {  	[sflag:s5] =	ssyncadd.s32 $0xFFFFFF80  }
0x177: {  	_ =	swait.ge [sflag:s5], $0x80  }
0x178: {  	[sflag:s5] =	ssyncset.done $0x0  }
0x179: {  	[sflag:s5] =	ssyncadd.s32 $0xFFFFFF80  }
0x17a: {  	_ =	swait.ge [sflag:s5], $0x80  }
0x17b: {  	[sflag:s5] =	ssyncset.done $0x0  }
0x17c: {  	[sflag:s5] =	ssyncadd.s32 $0xFFFFFF80  }
0x17d: {  	_ =	swait.ge [sflag:s5], $0x80  }
0x17e: {  	[sflag:s5] =	ssyncset.done $0x0  }
0x17f: {  	[sflag:s5] =	ssyncadd.s32 $0xFFFFFF80  }
0x180: {  	_ =	swait.ge [sflag:s5], $0x80  }
0x181: {  	[sflag:s5] =	ssyncset.done $0x0  }
0x182: {  	[sflag:s5] =	ssyncadd.s32 $0xFFFFFF80  }
0x183: {  	_ =	swait.ge [sflag:s5], $0x80  }
0x184: {  	[sflag:s5] =	ssyncset.done $0x0  }
0x185: {  	[sflag:s5] =	ssyncadd.s32 $0xFFFFFF80  }
0x186: {  	_ =	swait.ge [sflag:s5], $0x80  }
0x187: {  	[sflag:s5] =	ssyncset.done $0x0  }
0x188: {  	[sflag:s5] =	ssyncadd.s32 $0xFFFFFF80  }
0x189: {  	_ =	swait.ge [sflag:s5], $0x80  }
0x18a: {  	[sflag:s5] =	ssyncset.done $0x0  }
0x18b: {  	[sflag:s5] =	ssyncadd.s32 $0xFFFFFF80  }
0x18c: {  	_ =	swait.ge [sflag:s5], $0x80  }
0x18d: {  	[sflag:s5] =	ssyncset.done $0x0  }
0x18e: {  	[sflag:s5] =	ssyncadd.s32 $0xFFFFFF80  }
0x18f: {  	_ =	swait.ge [sflag:s5], $0x80  }
0x190: {  	[sflag:s5] =	ssyncset.done $0x0  }
0x191: {  	[sflag:s5] =	ssyncadd.s32 $0xFFFFFF80  }
0x192: {  	_ =	swait.ge [sflag:s5], $0x80  }
0x193: {  	[sflag:s5] =	ssyncset.done $0x0  }
0x194: {  	[sflag:s5] =	ssyncadd.s32 $0xFFFFFF80  }
0x195: {  	_ =	swait.ge [sflag:s5], $0x80  }
0x196: {  	[sflag:s5] =	ssyncset.done $0x0  }
0x197: {  	[sflag:s5] =	ssyncadd.s32 $0xFFFFFF80  }
0x198: {  	_ =	swait.ge [sflag:s5], $0x80  }
0x199: {  	[sflag:s5] =	ssyncset.done $0x0  }
0x19a: {  	[sflag:s5] =	ssyncadd.s32 $0xFFFFFF80  }
0x19b: {  	_ =	swait.ge [sflag:s5], $0x80  }
0x19c: {  	[sflag:s5] =	ssyncset.done $0x0  }
0x19d: {  	[sflag:s5] =	ssyncadd.s32 $0xFFFFFF80  }
0x19e: {  	_ =	swait.ge [sflag:s5], $0x80  }
0x19f: {  	[sflag:s5] =	ssyncset.done $0x0  }
0x1a0: {  	[sflag:s5] =	ssyncadd.s32 $0xFFFFFF80  }
0x1a1: {  	_ =	swait.ge [sflag:s5], $0x80  }
0x1a2: {  	[sflag:s5] =	ssyncset.done $0x0  }
0x1a3: {  	[sflag:s5] =	ssyncadd.s32 $0xFFFFFF80  }
0x1a4: {  	_ =	swait.ge [sflag:s5], $0x80  }
0x1a5: {  	[sflag:s5] =	ssyncset.done $0x0  }
0x1a6: {  	[sflag:s5] =	ssyncadd.s32 $0xFFFFFF80  }
0x1a7: {  	_ =	swait.ge [sflag:s5], $0x80  }
0x1a8: {  	[sflag:s5] =	ssyncset.done $0x0  }
0x1a9: {  	[sflag:s5] =	ssyncadd.s32 $0xFFFFFF80  }
0x1aa: {  	_ =	swait.ge [sflag:s5], $0x80  }
0x1ab: {  	[sflag:s5] =	ssyncset.done $0x0  }
0x1ac: {  	[sflag:s5] =	ssyncadd.s32 $0xFFFFFF80  }
0x1ad: {  	_ =	swait.ge [sflag:s5], $0x80  }
0x1ae: {  	[sflag:s5] =	ssyncset.done $0x0  }
0x1af: {  	[sflag:s5] =	ssyncadd.s32 $0xFFFFFF80  }
0x1b0: {  	_ =	swait.ge [sflag:s5], $0x80  }
0x1b1: {  	[sflag:s5] =	ssyncset.done $0x0  }
0x1b2: {  	[sflag:s5] =	ssyncadd.s32 $0xFFFFFF80  }
0x1b3: {  	_ =	swait.ge [sflag:s5], $0x80  }
0x1b4: {  	[sflag:s5] =	ssyncset.done $0x0  }
0x1b5: {  	[sflag:s5] =	ssyncadd.s32 $0xFFFFFF80  }
0x1b6: {  	_ =	swait.ge [sflag:s5], $0x80  }
0x1b7: {  	[sflag:s5] =	ssyncset.done $0x0  }
0x1b8: {  	[sflag:s5] =	ssyncadd.s32 $0xFFFFFF80  }
0x1b9: {  	_ =	swait.ge [sflag:s5], $0x80  }
0x1ba: {  	[sflag:s5] =	ssyncset.done $0x0  }
0x1bb: {  	[sflag:s5] =	ssyncadd.s32 $0xFFFFFF80  }
0x1bc: {  	_ =	swait.ge [sflag:s5], $0x80  }
0x1bd: {  	[sflag:s5] =	ssyncset.done $0x0  }
0x1be: {  	[sflag:s5] =	ssyncadd.s32 $0xFFFFFF80  }
0x1bf: {  	p1 =	sne.s32 s7, $0x1;
	_ =	swait.ge [sflag:s5], $0x80  }
.Ltmp3:
0x1c0: {  	[sflag:s5] =	ssyncset.done $0x0;
	(pc) =	sbr.rel @p1 .LBB2_3-.Ltmp3, $4  }
0x1c1: {  	s31 =	rddreg [dreg:$0x4];
	[sflag:s5] =	ssyncadd.s32 $0xFFFFFF80  }
0x1c2: {  	[hbm4b:s31+s2] =	stream.linear.scatter [tilespmem:s4], [sflag:$0x2], $0x1000, $0x38;
	[tilespmem:$0x1080] =	vst v63  }
0x1c3: {  	_ =	swait.ge [sflag:s3], $0x1000  }
0x1c4: {  	s7 =	sadd.s32 $0xFFFFFFFF, s7;
	s8 =	rddreg [dreg:$0x3];
	[sflag:s3] =	ssyncset.done $0x0  }
.LBB2_4:
0x1c5: {  	[sflag:s3] =	ssyncadd.s32 @p0 $0xFFFFF000  }
0x1c6: {  	[tilespmem:s2], [sflag:$0x2] =	stream.linear.gather [hbm4b:s8+s2], $0x80, $0x38;
	[tilespmem:$0x1080] =	vst v63  }
0x1c7: {  	_ =	swait.ge [sflag:s3], $0x80  }
0x1c8: {  	[sflag:s3] =	ssyncset.done $0x0  }
0x1c9: {  	[sflag:s3] =	ssyncadd.s32 $0xFFFFFF80  }
0x1ca: {  	v0 =	vld [tilespmem:$0x0];
	_ =	sdelay $0x4  }
0x1cb: {  	v0 =	vshll.u32 v0, $0x4  }
0x1cc: {  	(v2sf) =	vpush v0, $0x0  }
0x1cd: {  	(v2sf) =	vpush v0, $0x1  }
0x1ce: {  	(v2sf) =	vpush v0, $0x2;
	_ =	sdelay $0x1  }
0x1cf: {  	s8 =	rddreg [dreg:$0x11];
	(v2sf) =	vpush v0, $0x3  }
0x1d0: {  	s9 =	rddreg [dreg:$0x10]  }
0x1d1: {  	s10 =	rddreg [dreg:$0xf];
	(v2sf) =	vpush v0, $0x4  }
0x1d2: {  	s11 =	rddreg [dreg:$0xe]  }
0x1d3: {  	s12 =	rddreg [dreg:$0xd];
	(v2sf) =	vpush v0, $0x5  }
0x1d4: {  	s13 =	rddreg [dreg:$0xc]  }
0x1d5: {  	s14 =	rddreg [dreg:$0xb];
	(v2sf) =	vpush v0, $0x6  }
0x1d6: {  	s15 =	rddreg [dreg:$0xa]  }
0x1d7: {  	s16 =	rddreg [dreg:$0x9];
	(v2sf) =	vpush v0, $0x7  }
0x1d8: {  	s17 =	rddreg [dreg:$0x8]  }
0x1d9: {  	s18 =	rddreg [dreg:$0x7];
	(v2sf) =	vpush v0, $0x8  }
0x1da: {  	s19 =	rddreg [dreg:$0x6];
	s20 =	spop (v2sf)  }
0x1db: {  	s21 =	rddreg [dreg:$0x5];
	s20 =	sand.u32 $0x1FFFFFF0, s20;
	s22 =	spop (v2sf);
	(v2sf) =	vpush v0, $0x9  }
0x1dc: {  	s20 =	sadd.s32 s6, s20;
	s22 =	sand.u32 $0x1FFFFFF0, s22;
	s23 =	spop (v2sf)  }
0x1dd: {  	(v2sf) =	vpush v0, $0xA;
	[tilespmem:s4], [sflag:$0x1] =	stream.linear.gather [hbm4b:s20+s2], $0x80, $0x38;
	[tilespmem:$0x1080] =	vst v63  }
0x1de: {  	s22 =	sadd.s32 s6, s22;
	s23 =	sand.u32 $0x1FFFFFF0, s23;
	s24 =	spop (v2sf)  }
0x1df: {  	(v2sf) =	vpush v0, $0xB;
	[tilespmem:s21], [sflag:$0x1] =	stream.linear.gather [hbm4b:s22+s2], $0x80, $0x38;
	[tilespmem:$0x1080] =	vst v63  }
0x1e0: {  	s25 =	sadd.s32 s6, s23;
	s26 =	sand.u32 $0x1FFFFFF0, s24;
	s28 =	spop (v2sf)  }
0x1e1: {  	(v2sf) =	vpush v0, $0xC;
	[tilespmem:s19], [sflag:$0x1] =	stream.linear.gather [hbm4b:s25+s2], $0x80, $0x38;
	[tilespmem:$0x1080] =	vst v63  }
0x1e2: {  	s29 =	sadd.s32 s6, s26;
	s30 =	sand.u32 $0x1FFFFFF0, s28;
	s31 =	spop (v2sf)  }
0x1e3: {  	(v2sf) =	vpush v0, $0xD;
	[tilespmem:s18], [sflag:$0x1] =	stream.linear.gather [hbm4b:s29+s2], $0x80, $0x38;
	[tilespmem:$0x1080] =	vst v63  }
0x1e4: {  	s22 =	sadd.s32 s6, s30;
	s23 =	sand.u32 $0x1FFFFFF0, s31;
	s24 =	spop (v2sf)  }
0x1e5: {  	(v2sf) =	vpush v0, $0xE;
	[tilespmem:s17], [sflag:$0x1] =	stream.linear.gather [hbm4b:s22+s2], $0x80, $0x38;
	[tilespmem:$0x1080] =	vst v63  }
0x1e6: {  	s25 =	sadd.s32 s6, s23;
	s26 =	sand.u32 $0x1FFFFFF0, s24;
	s28 =	spop (v2sf)  }
0x1e7: {  	(v2sf) =	vpush v0, $0xF;
	[tilespmem:s16], [sflag:$0x1] =	stream.linear.gather [hbm4b:s25+s2], $0x80, $0x38;
	[tilespmem:$0x1080] =	vst v63  }
0x1e8: {  	s30 =	sand.u32 $0x1FFFFFF0, s28;
	s31 =	spop (v2sf);
	s29 =	sadd.s32 s6, s26  }
0x1e9: {  	[tilespmem:s15], [sflag:$0x1] =	stream.linear.gather [hbm4b:s29+s2], $0x80, $0x38;
	[tilespmem:$0x1080] =	vst v63  }
0x1ea: {  	s19 =	sadd.s32 s6, s30;
	s20 =	sand.u32 $0x1FFFFFF0, s31;
	s21 =	spop (v2sf)  }
0x1eb: {  	[tilespmem:s14], [sflag:$0x1] =	stream.linear.gather [hbm4b:s19+s2], $0x80, $0x38;
	[tilespmem:$0x1080] =	vst v63  }
0x1ec: {  	s22 =	sadd.s32 s6, s20;
	s23 =	sand.u32 $0x1FFFFFF0, s21;
	s24 =	spop (v2sf)  }
0x1ed: {  	[tilespmem:s13], [sflag:$0x1] =	stream.linear.gather [hbm4b:s22+s2], $0x80, $0x38;
	[tilespmem:$0x1080] =	vst v63  }
0x1ee: {  	s25 =	sadd.s32 s6, s23;
	s26 =	sand.u32 $0x1FFFFFF0, s24;
	s28 =	spop (v2sf)  }
0x1ef: {  	[tilespmem:s12], [sflag:$0x1] =	stream.linear.gather [hbm4b:s25+s2], $0x80, $0x38;
	[tilespmem:$0x1080] =	vst v63  }
0x1f0: {  	s29 =	sadd.s32 s6, s26;
	s30 =	sand.u32 $0x1FFFFFF0, s28;
	s31 =	spop (v2sf)  }
0x1f1: {  	[tilespmem:s11], [sflag:$0x1] =	stream.linear.gather [hbm4b:s29+s2], $0x80, $0x38;
	[tilespmem:$0x1080] =	vst v63  }
0x1f2: {  	s15 =	sadd.s32 s6, s30;
	s16 =	sand.u32 $0x1FFFFFF0, s31;
	s17 =	spop (v2sf)  }
0x1f3: {  	[tilespmem:s10], [sflag:$0x1] =	stream.linear.gather [hbm4b:s15+s2], $0x80, $0x38;
	[tilespmem:$0x1080] =	vst v63  }
0x1f4: {  	s18 =	sadd.s32 s6, s16;
	s19 =	sand.u32 $0x1FFFFFF0, s17;
	s20 =	spop (v2sf)  }
0x1f5: {  	[tilespmem:s9], [sflag:$0x1] =	stream.linear.gather [hbm4b:s18+s2], $0x80, $0x38;
	[tilespmem:$0x1080] =	vst v63  }
0x1f6: {  	s21 =	sadd.s32 s6, s19;
	s22 =	sand.u32 $0x1FFFFFF0, s20;
	s23 =	spop (v2sf)  }
0x1f7: {  	[tilespmem:s8], [sflag:$0x1] =	stream.linear.gather [hbm4b:s21+s2], $0x80, $0x38;
	[tilespmem:$0x1080] =	vst v63  }
0x1f8: {  	s7 =	rddreg [dreg:$0x12];
	s24 =	sadd.s32 s6, s22;
	s25 =	sand.u32 $0x1FFFFFF0, s23  }
0x1f9: {  	[tilespmem:s7], [sflag:$0x1] =	stream.linear.gather [hbm4b:s24+s2], $0x80, $0x38;
	[tilespmem:$0x1080] =	vst v63  }
0x1fa: {  	s26 =	rddreg [dreg:$0x13];
	s28 =	sadd.s32 s6, s25  }
0x1fb: {  	[tilespmem:s26], [sflag:$0x1] =	stream.linear.gather [hbm4b:s28+s2], $0x80, $0x38;
	[tilespmem:$0x1080] =	vst v63  }
0x1fc: {  	v63 =	vld [tilespmem:$0x10];
	_ =	sdelay $0x4  }
0x1fd: {  	v0 =	vshll.u32 v63, $0x4  }
0x1fe: {  	(v2sf) =	vpush v0, $0x0  }
0x1ff: {  	(v2sf) =	vpush v0, $0x1  }
0x200: {  	s14 =	rddreg [dreg:$0x1b];
	(v2sf) =	vpush v0, $0x2  }
0x201: {  	s13 =	rddreg [dreg:$0x1c]  }
0x202: {  	s31 =	rddreg [dreg:$0x15];
	(v2sf) =	vpush v0, $0x3  }
0x203: {  	s12 =	rddreg [dreg:$0x1d]  }
0x204: {  	s16 =	rddreg [dreg:$0x19];
	(v2sf) =	vpush v0, $0x4  }
0x205: {  	s17 =	rddreg [dreg:$0x18]  }
0x206: {  	s19 =	rddreg [dreg:$0x16];
	(v2sf) =	vpush v0, $0x5  }
0x207: {  	s11 =	rddreg [dreg:$0x1e]  }
0x208: {  	s29 =	rddreg [dreg:$0x14];
	(v2sf) =	vpush v0, $0x6  }
0x209: {  	s10 =	rddreg [dreg:$0x1f]  }
0x20a: {  	s15 =	rddreg [dreg:$0x1a];
	(v2sf) =	vpush v0, $0x7  }
0x20b: {  	s9 =	sld [smem:$0x7FA]  }
0x20c: {  	s18 =	rddreg [dreg:$0x17];
	(v2sf) =	vpush v0, $0x8  }
0x20d: {  	s8 =	sld [smem:$0x7FB];
	s30 =	spop (v2sf)  }
0x20e: {  	s7 =	sld [smem:$0x7FC];
	(v2sf) =	vpush v0, $0x9;
	s21 =	sand.u32 $0x1FFFFFF0, s30;
	s24 =	spop (v2sf)  }
0x20f: {  	s21 =	sadd.s32 s6, s21;
	s23 =	sand.u32 $0x1FFFFFF0, s24;
	s24 =	spop (v2sf)  }
0x210: {  	(v2sf) =	vpush v0, $0xA;
	[tilespmem:s29], [sflag:$0x1] =	stream.linear.gather [hbm4b:s21+s2], $0x80, $0x38;
	[tilespmem:$0x1080] =	vst v63  }
0x211: {  	s25 =	sadd.s32 s6, s23;
	s26 =	sand.u32 $0x1FFFFFF0, s24;
	s28 =	spop (v2sf)  }
0x212: {  	(v2sf) =	vpush v0, $0xB;
	[tilespmem:s31], [sflag:$0x1] =	stream.linear.gather [hbm4b:s25+s2], $0x80, $0x38;
	[tilespmem:$0x1080] =	vst v63  }
0x213: {  	s29 =	sadd.s32 s6, s26;
	s30 =	sand.u32 $0x1FFFFFF0, s28;
	s31 =	spop (v2sf)  }
0x214: {  	(v2sf) =	vpush v0, $0xC;
	[tilespmem:s19], [sflag:$0x1] =	stream.linear.gather [hbm4b:s29+s2], $0x80, $0x38;
	[tilespmem:$0x1080] =	vst v63  }
0x215: {  	s21 =	sadd.s32 s6, s30;
	s23 =	sand.u32 $0x1FFFFFF0, s31;
	s24 =	spop (v2sf)  }
0x216: {  	(v2sf) =	vpush v0, $0xD;
	[tilespmem:s18], [sflag:$0x1] =	stream.linear.gather [hbm4b:s21+s2], $0x80, $0x38;
	[tilespmem:$0x1080] =	vst v63  }
0x217: {  	s25 =	sadd.s32 s6, s23;
	s26 =	sand.u32 $0x1FFFFFF0, s24;
	s28 =	spop (v2sf)  }
0x218: {  	(v2sf) =	vpush v0, $0xE;
	[tilespmem:s17], [sflag:$0x1] =	stream.linear.gather [hbm4b:s25+s2], $0x80, $0x38;
	[tilespmem:$0x1080] =	vst v63  }
0x219: {  	s29 =	sadd.s32 s6, s26;
	s30 =	sand.u32 $0x1FFFFFF0, s28;
	s31 =	spop (v2sf)  }
0x21a: {  	(v2sf) =	vpush v0, $0xF;
	[tilespmem:s16], [sflag:$0x1] =	stream.linear.gather [hbm4b:s29+s2], $0x80, $0x38;
	[tilespmem:$0x1080] =	vst v63  }
0x21b: {  	s18 =	sadd.s32 s6, s30;
	s20 =	sand.u32 $0x1FFFFFF0, s31;
	s21 =	spop (v2sf)  }
0x21c: {  	[tilespmem:s15], [sflag:$0x1] =	stream.linear.gather [hbm4b:s18+s2], $0x80, $0x38;
	[tilespmem:$0x1080] =	vst v63  }
0x21d: {  	s22 =	sadd.s32 s6, s20;
	s23 =	sand.u32 $0x1FFFFFF0, s21;
	s24 =	spop (v2sf)  }
0x21e: {  	[tilespmem:s14], [sflag:$0x1] =	stream.linear.gather [hbm4b:s22+s2], $0x80, $0x38;
	[tilespmem:$0x1080] =	vst v63  }
0x21f: {  	s25 =	sadd.s32 s6, s23;
	s26 =	sand.u32 $0x1FFFFFF0, s24;
	s28 =	spop (v2sf)  }
0x220: {  	[tilespmem:s13], [sflag:$0x1] =	stream.linear.gather [hbm4b:s25+s2], $0x80, $0x38;
	[tilespmem:$0x1080] =	vst v63  }
0x221: {  	s29 =	sadd.s32 s6, s26;
	s30 =	sand.u32 $0x1FFFFFF0, s28;
	s31 =	spop (v2sf)  }
0x222: {  	[tilespmem:s12], [sflag:$0x1] =	stream.linear.gather [hbm4b:s29+s2], $0x80, $0x38;
	[tilespmem:$0x1080] =	vst v63  }
0x223: {  	s14 =	sadd.s32 s6, s30;
	s15 =	sand.u32 $0x1FFFFFF0, s31;
	s16 =	spop (v2sf)  }
0x224: {  	[tilespmem:s11], [sflag:$0x1] =	stream.linear.gather [hbm4b:s14+s2], $0x80, $0x38;
	[tilespmem:$0x1080] =	vst v63  }
0x225: {  	s17 =	sadd.s32 s6, s15;
	s18 =	sand.u32 $0x1FFFFFF0, s16;
	s19 =	spop (v2sf)  }
0x226: {  	[tilespmem:s10], [sflag:$0x1] =	stream.linear.gather [hbm4b:s17+s2], $0x80, $0x38;
	[tilespmem:$0x1080] =	vst v63  }
0x227: {  	s20 =	sadd.s32 s6, s18;
	s21 =	sand.u32 $0x1FFFFFF0, s19;
	s22 =	spop (v2sf)  }
0x228: {  	[tilespmem:s9], [sflag:$0x1] =	stream.linear.gather [hbm4b:s20+s2], $0x80, $0x38;
	[tilespmem:$0x1080] =	vst v63  }
0x229: {  	s23 =	sadd.s32 s6, s21;
	s24 =	sand.u32 $0x1FFFFFF0, s22;
	s25 =	spop (v2sf)  }
0x22a: {  	[tilespmem:s8], [sflag:$0x1] =	stream.linear.gather [hbm4b:s23+s2], $0x80, $0x38;
	[tilespmem:$0x1080] =	vst v63  }
0x22b: {  	s29 =	sld [smem:$0x7FD];
	s26 =	sadd.s32 s6, s24;
	s28 =	sand.u32 $0x1FFFFFF0, s25  }
0x22c: {  	[tilespmem:s7], [sflag:$0x1] =	stream.linear.gather [hbm4b:s26+s2], $0x80, $0x38;
	[tilespmem:$0x1080] =	vst v63  }
0x22d: {  	s30 =	sadd.s32 s6, s28  }
0x22e: {  	[tilespmem:s29], [sflag:$0x1] =	stream.linear.gather [hbm4b:s30+s2], $0x80, $0x38;
	[tilespmem:$0x1080] =	vst v63  }
0x22f: {  	_ =	swait.ge [sflag:s5], $0x80  }
0x230: {  	[sflag:s5] =	ssyncset.done $0x0  }
0x231: {  	[sflag:s5] =	ssyncadd.s32 $0xFFFFFF80  }
0x232: {  	_ =	swait.ge [sflag:s5], $0x80  }
0x233: {  	[sflag:s5] =	ssyncset.done $0x0  }
0x234: {  	[sflag:s5] =	ssyncadd.s32 $0xFFFFFF80  }
0x235: {  	_ =	swait.ge [sflag:s5], $0x80  }
0x236: {  	[sflag:s5] =	ssyncset.done $0x0  }
0x237: {  	[sflag:s5] =	ssyncadd.s32 $0xFFFFFF80  }
0x238: {  	_ =	swait.ge [sflag:s5], $0x80  }
0x239: {  	[sflag:s5] =	ssyncset.done $0x0  }
0x23a: {  	[sflag:s5] =	ssyncadd.s32 $0xFFFFFF80  }
0x23b: {  	_ =	swait.ge [sflag:s5], $0x80  }
0x23c: {  	[sflag:s5] =	ssyncset.done $0x0  }
0x23d: {  	[sflag:s5] =	ssyncadd.s32 $0xFFFFFF80  }
0x23e: {  	_ =	swait.ge [sflag:s5], $0x80  }
0x23f: {  	[sflag:s5] =	ssyncset.done $0x0  }
0x240: {  	[sflag:s5] =	ssyncadd.s32 $0xFFFFFF80  }
0x241: {  	_ =	swait.ge [sflag:s5], $0x80  }
0x242: {  	[sflag:s5] =	ssyncset.done $0x0  }
0x243: {  	[sflag:s5] =	ssyncadd.s32 $0xFFFFFF80  }
0x244: {  	_ =	swait.ge [sflag:s5], $0x80  }
0x245: {  	[sflag:s5] =	ssyncset.done $0x0  }
0x246: {  	[sflag:s5] =	ssyncadd.s32 $0xFFFFFF80  }
0x247: {  	_ =	swait.ge [sflag:s5], $0x80  }
0x248: {  	[sflag:s5] =	ssyncset.done $0x0  }
0x249: {  	[sflag:s5] =	ssyncadd.s32 $0xFFFFFF80  }
0x24a: {  	_ =	swait.ge [sflag:s5], $0x80  }
0x24b: {  	[sflag:s5] =	ssyncset.done $0x0  }
0x24c: {  	[sflag:s5] =	ssyncadd.s32 $0xFFFFFF80  }
0x24d: {  	_ =	swait.ge [sflag:s5], $0x80  }
0x24e: {  	[sflag:s5] =	ssyncset.done $0x0  }
0x24f: {  	[sflag:s5] =	ssyncadd.s32 $0xFFFFFF80  }
0x250: {  	_ =	swait.ge [sflag:s5], $0x80  }
0x251: {  	[sflag:s5] =	ssyncset.done $0x0  }
0x252: {  	[sflag:s5] =	ssyncadd.s32 $0xFFFFFF80  }
0x253: {  	_ =	swait.ge [sflag:s5], $0x80  }
0x254: {  	[sflag:s5] =	ssyncset.done $0x0  }
0x255: {  	[sflag:s5] =	ssyncadd.s32 $0xFFFFFF80  }
0x256: {  	_ =	swait.ge [sflag:s5], $0x80  }
0x257: {  	[sflag:s5] =	ssyncset.done $0x0  }
0x258: {  	[sflag:s5] =	ssyncadd.s32 $0xFFFFFF80  }
0x259: {  	_ =	swait.ge [sflag:s5], $0x80  }
0x25a: {  	[sflag:s5] =	ssyncset.done $0x0  }
0x25b: {  	[sflag:s5] =	ssyncadd.s32 $0xFFFFFF80  }
0x25c: {  	_ =	swait.ge [sflag:s5], $0x80  }
0x25d: {  	[sflag:s5] =	ssyncset.done $0x0  }
0x25e: {  	[sflag:s5] =	ssyncadd.s32 $0xFFFFFF80  }
0x25f: {  	_ =	swait.ge [sflag:s5], $0x80  }
0x260: {  	[sflag:s5] =	ssyncset.done $0x0  }
0x261: {  	[sflag:s5] =	ssyncadd.s32 $0xFFFFFF80  }
0x262: {  	_ =	swait.ge [sflag:s5], $0x80  }
0x263: {  	[sflag:s5] =	ssyncset.done $0x0  }
0x264: {  	[sflag:s5] =	ssyncadd.s32 $0xFFFFFF80  }
0x265: {  	_ =	swait.ge [sflag:s5], $0x80  }
0x266: {  	[sflag:s5] =	ssyncset.done $0x0  }
0x267: {  	[sflag:s5] =	ssyncadd.s32 $0xFFFFFF80  }
0x268: {  	_ =	swait.ge [sflag:s5], $0x80  }
0x269: {  	[sflag:s5] =	ssyncset.done $0x0  }
0x26a: {  	[sflag:s5] =	ssyncadd.s32 $0xFFFFFF80  }
0x26b: {  	_ =	swait.ge [sflag:s5], $0x80  }
0x26c: {  	[sflag:s5] =	ssyncset.done $0x0  }
0x26d: {  	[sflag:s5] =	ssyncadd.s32 $0xFFFFFF80  }
0x26e: {  	_ =	swait.ge [sflag:s5], $0x80  }
0x26f: {  	[sflag:s5] =	ssyncset.done $0x0  }
0x270: {  	[sflag:s5] =	ssyncadd.s32 $0xFFFFFF80  }
0x271: {  	_ =	swait.ge [sflag:s5], $0x80  }
0x272: {  	[sflag:s5] =	ssyncset.done $0x0  }
0x273: {  	[sflag:s5] =	ssyncadd.s32 $0xFFFFFF80  }
0x274: {  	_ =	swait.ge [sflag:s5], $0x80  }
0x275: {  	[sflag:s5] =	ssyncset.done $0x0  }
0x276: {  	[sflag:s5] =	ssyncadd.s32 $0xFFFFFF80  }
0x277: {  	_ =	swait.ge [sflag:s5], $0x80  }
0x278: {  	[sflag:s5] =	ssyncset.done $0x0  }
0x279: {  	[sflag:s5] =	ssyncadd.s32 $0xFFFFFF80  }
0x27a: {  	_ =	swait.ge [sflag:s5], $0x80  }
0x27b: {  	[sflag:s5] =	ssyncset.done $0x0  }
0x27c: {  	[sflag:s5] =	ssyncadd.s32 $0xFFFFFF80  }
0x27d: {  	_ =	swait.ge [sflag:s5], $0x80  }
0x27e: {  	[sflag:s5] =	ssyncset.done $0x0  }
0x27f: {  	[sflag:s5] =	ssyncadd.s32 $0xFFFFFF80  }
0x280: {  	_ =	swait.ge [sflag:s5], $0x80  }
0x281: {  	[sflag:s5] =	ssyncset.done $0x0  }
0x282: {  	[sflag:s5] =	ssyncadd.s32 $0xFFFFFF80  }
0x283: {  	_ =	swait.ge [sflag:s5], $0x80  }
0x284: {  	[sflag:s5] =	ssyncset.done $0x0  }
0x285: {  	[sflag:s5] =	ssyncadd.s32 $0xFFFFFF80  }
0x286: {  	_ =	swait.ge [sflag:s5], $0x80  }
0x287: {  	[sflag:s5] =	ssyncset.done $0x0  }
0x288: {  	[sflag:s5] =	ssyncadd.s32 $0xFFFFFF80  }
0x289: {  	_ =	swait.ge [sflag:s5], $0x80  }
0x28a: {  	[sflag:s5] =	ssyncset.done $0x0  }
0x28b: {  	[sflag:s5] =	ssyncadd.s32 $0xFFFFFF80  }
0x28c: {  	_ =	swait.ge [sflag:s5], $0x80  }
0x28d: {  	[sflag:s5] =	ssyncset.done $0x0  }
0x28e: {  	s31 =	rddreg [dreg:$0x4];
	[sflag:s5] =	ssyncadd.s32 $0xFFFFFF80  }
0x28f: {  	[hbm4b:s31+s2] =	stream.linear.scatter [tilespmem:s4], [sflag:$0x2], $0x1000, $0x38;
	[tilespmem:$0x1080] =	vst v63  }
0x290: {  	_ =	swait.ge [sflag:s3], $0x1000  }
0x291: {  	[sflag:s3] =	ssyncset.done $0x0  }
0x292: {  	[sflag:s3] =	ssyncadd.s32 $0xFFFFF000  }
.LBB2_5:
0x293: {  	_ =	sfence.sel $0x180000  }
0x294: {  	[bflag:$0x0] =	sbarrier.arrive $0xFFFF  }
0x295: {  	p0 =	sne.s32 s1, $0x0;
	_ =	strace $0x90000047  }
0x296: {  	s0 =	sadd.s32 @!p0 $0x100000, s0;
	[bflag:$0x2] =	sbarrier.arrive $0xFFFF  }
0x297: {  	[sflag:s0] =	ssyncadd.tile.s32 @!p0 $0x1;
	_ =	shalt  }
.Lfunc_end2:
_tile_overlayer_lowered:
.L_overlay_start_2:
0x298: {  	(tag) =	ssettag $0x2  }
0x299: {  	s0 =	rddreg [dreg:$0x0];
	s2 =	stileid.u32  }
0x29a: {  	s1 =	rddreg [dreg:$0x1];
	p0 =	sne.s32 s2, $0x0  }
0x29b: {  	s3 =	rddreg [dreg:$0x2];
	[bflag:$0x3] =	sbarrier.arrive $0xFFFF;
	s2 =	simm.s32 @!p0 $0x1C02  }
0x29c: {  	[timem:s3], [sflag:s2] =	dma.local @!p0 [hbm:s0], s1  }
0x29d: {  	s0 =	simm.s32 @!p0 $0x2  }
0x29e: {  	_ =	swait.ge @!p0 [sflag:s0], s1  }
0x29f: {  	s1 =	ssub.s32 @!p0 $0x0, s1;
	[sflag:s0] =	ssyncset.done @!p0 $0x0  }
0x2a0: {  	[sflag:s0] =	ssyncadd.s32 @!p0 s1  }
0x2a1: {  	[bflag:$0x3] =	sbarrier.arrive $0xFFFF  }
0x2a2: {  	_ =	shalt  }

</sc_bundles>
